<compile_context>
chip_gen: v7x
topology: tpu7x:2x2x1
jax: 0.10.2.dev20260603
libtpu: 0.0.44.dev20260713+nightly
codegen_flags: <defaults>
</compile_context>

<pallas_src>
import functools

import jax
import jax.numpy as jnp
from jax import lax
from jax.experimental import pallas as pl
from jax.experimental.pallas import tpu as pltpu
from jax.experimental.pallas import tpu_sc as plsc

N = 16777216
NBINS = 256
NC = 2
NS = 16
NW = NC * NS
L = 16
PER_W = N // NW
UNROLL = 8
RING = 4

P1_C = 16384
P1_NCH = PER_W // P1_C
P1_SL = P1_C // L

C2 = 16384
NCH2 = PER_W // C2
SL2 = C2 // L

_mesh = plsc.VectorSubcoreMesh(core_axis_name="c", subcore_axis_name="s")


@functools.partial(
    pl.kernel,
    mesh=_mesh,
    out_type=[
        jax.ShapeDtypeStruct((NW * L,), jnp.float32),
        jax.ShapeDtypeStruct((NW * L,), jnp.float32),
    ],
    scratch_types=[
        *([pltpu.VMEM((P1_C,), jnp.float32)] * RING),
        pltpu.VMEM((L,), jnp.float32),
        pltpu.VMEM((L,), jnp.float32),
        *([pltpu.SemaphoreType.DMA] * RING),
    ],
)
def _minmax_k(x_hbm, mins_hbm, maxs_hbm, *scratch):
    wid = lax.axis_index("s") * NC + lax.axis_index("c")
    base = wid * PER_W
    bufs = scratch[0:RING]
    mnb, mxb = scratch[RING], scratch[RING + 1]
    sems = scratch[RING + 2:2 * RING + 2]
    for b in range(RING):
        pltpu.make_async_copy(
            x_hbm.at[pl.ds(base + b * P1_C, P1_C)], bufs[b], sems[b]
        ).start()

    def chunk_body(gr, carry):
        accs = list(carry)
        for b in range(RING):
            g = gr * RING + b
            buf, sem = bufs[b], sems[b]
            pltpu.make_async_copy(
                x_hbm.at[pl.ds(base + g * P1_C, P1_C)], buf, sem
            ).wait()

            def inner(i, c):
                a = list(c)
                o = i * (L * UNROLL)
                for u in range(UNROLL):
                    v = buf[pl.ds(o + u * L, L)]
                    a[2 * u] = jnp.minimum(a[2 * u], v)
                    a[2 * u + 1] = jnp.maximum(a[2 * u + 1], v)
                return tuple(a)

            accs = list(lax.fori_loop(0, P1_SL // UNROLL, inner, tuple(accs)))
            nxt = g + RING

            @pl.when(nxt < P1_NCH)
            def _():
                pltpu.make_async_copy(
                    x_hbm.at[pl.ds(base + nxt * P1_C, P1_C)], buf, sem
                ).start()
        return tuple(accs)

    init = (
        jnp.full((L,), jnp.inf, jnp.float32),
        jnp.full((L,), -jnp.inf, jnp.float32),
    ) * UNROLL
    fin = lax.fori_loop(0, P1_NCH // RING, chunk_body, init)
    mn, mx = fin[0], fin[1]
    for u in range(1, UNROLL):
        mn = jnp.minimum(mn, fin[2 * u])
        mx = jnp.maximum(mx, fin[2 * u + 1])
    mnb[...] = mn
    mxb[...] = mx
    pltpu.sync_copy(mnb, mins_hbm.at[pl.ds(wid * L, L)])
    pltpu.sync_copy(mxb, maxs_hbm.at[pl.ds(wid * L, L)])


@functools.partial(
    pl.kernel,
    mesh=_mesh,
    out_type=jax.ShapeDtypeStruct((N,), jnp.int32),
    scratch_types=[
        pltpu.VMEM((NW * L,), jnp.float32),
        pltpu.VMEM((NW * L,), jnp.float32),
        pltpu.VMEM((2 * L,), jnp.float32),
        pltpu.VMEM((2 * L,), jnp.float32),
        *([pltpu.VMEM((C2,), jnp.float32)] * RING),
        *([pltpu.VMEM((C2,), jnp.int32)] * 2),
        *([pltpu.SemaphoreType.DMA] * (RING + 2)),
    ],
)
def _bucketize_k(
    x_hbm, mins_hbm, maxs_hbm, out_hbm,
    mins_v, maxs_v, dupm, dupx, *bufs_and_sems,
):
    wid = lax.axis_index("s") * NC + lax.axis_index("c")
    base = wid * PER_W
    ibufs = bufs_and_sems[0:RING]
    obufs = bufs_and_sems[RING:RING + 2]
    isems = bufs_and_sems[RING + 2:2 * RING + 2]
    osems = bufs_and_sems[2 * RING + 2:2 * RING + 4]

    for b in range(RING):
        pltpu.make_async_copy(
            x_hbm.at[pl.ds(base + b * C2, C2)], ibufs[b], isems[b]
        ).start()
    pltpu.sync_copy(mins_hbm, mins_v)
    pltpu.sync_copy(maxs_hbm, maxs_v)

    mn = mins_v[pl.ds(0, L)]
    mx = maxs_v[pl.ds(0, L)]
    for i in range(1, NW):
        mn = jnp.minimum(mn, mins_v[pl.ds(i * L, L)])
        mx = jnp.maximum(mx, maxs_v[pl.ds(i * L, L)])
    dupm[pl.ds(0, L)] = mn
    dupm[pl.ds(L, L)] = mn
    dupx[pl.ds(0, L)] = mx
    dupx[pl.ds(L, L)] = mx
    mnb, mxb = mn, mx
    for k in range(1, L):
        mnb = jnp.minimum(mnb, dupm[pl.ds(k, L)])
        mxb = jnp.maximum(mxb, dupx[pl.ds(k, L)])
    stepv = (mxb - mnb) * jnp.float32(1.0 / NBINS)
    invv = jnp.float32(1.0) / stepv

    def chunk_body(gr, carry):
        for b in range(RING):
            g = gr * RING + b
            ib, isem = ibufs[b], isems[b]
            ob, osem = obufs[b % 2], osems[b % 2]
            pltpu.make_async_copy(
                x_hbm.at[pl.ds(base + g * C2, C2)], ib, isem
            ).wait()

            @pl.when(g >= 2)
            def _():
                pltpu.make_async_copy(
                    ob, out_hbm.at[pl.ds(base + (g - 2) * C2, C2)], osem
                ).wait()

            @plsc.parallel_loop(0, SL2, step=1, unroll=2 * UNROLL)
            def _(i):
                o = i * L
                v = ib[pl.ds(o, L)]
                ob[pl.ds(o, L)] = ((v - mnb) * invv).astype(jnp.int32)

            pltpu.make_async_copy(
                ob, out_hbm.at[pl.ds(base + g * C2, C2)], osem
            ).start()
            nxt = g + RING

            @pl.when(nxt < NCH2)
            def _():
                pltpu.make_async_copy(
                    x_hbm.at[pl.ds(base + nxt * C2, C2)], ib, isem
                ).start()
        return carry

    lax.fori_loop(0, NCH2 // RING, chunk_body, 0)
    for h in range(2):
        pltpu.make_async_copy(
            obufs[h],
            out_hbm.at[pl.ds(base + (NCH2 - 2 + h) * C2, C2)],
            osems[h],
        ).wait()


def kernel(embeddings):
    mins, maxs = _minmax_k(embeddings)
    return _bucketize_k(embeddings, mins, maxs)

# --- scband reference (transcript-rebuilt; emitter-appended) ---
"""Pipeline reference for scband-histogram-discretizer-69166153335035 (READ-ONLY COPY).

The authoritative reference and input builder live on the scoring server;
editing this copy changes nothing except your own understanding.
"""

import jax, jax.numpy as jnp
import numpy as np

BINS = 256

def setup_inputs(seed: int = 0) -> dict:
    key = jax.random.key(seed)
    embeddings = jax.random.normal(key, (16777216,), dtype=jnp.float32)
    return {"embeddings": embeddings}

def reference(embeddings):
    # min/max over dim=-1 with keepdim, as in the torch module
    min_vals = jnp.min(embeddings, axis=-1, keepdims=True)
    max_vals = jnp.max(embeddings, axis=-1, keepdims=True)
    # torch.linspace(min, max, steps=bins+1) -- scalar endpoints
    bins = jnp.linspace(min_vals[0], max_vals[0], BINS + 1)
    # torch.bucketize(x, boundaries, right=False) == searchsorted side='left'
    digitized = jnp.searchsorted(bins[1:-1], embeddings, side='left')
    return digitized

if __name__ == "__main__":
    import jax
    _d = setup_inputs()
    print(jax.jit(kernel)(*tuple(_d.values())))

</pallas_src>

<mosaic_0001>
#map = affine_map<(d0, d1) -> (0)>
module attributes {stable_mosaic.version = 14 : i64} {
  func.func @_minmax_k(%arg0: i32, %arg1: i32, %arg2: memref<16777216xf32, #tpu.memory_space<hbm>>, %arg3: memref<512xf32, #tpu.memory_space<hbm>>, %arg4: memref<512xf32, #tpu.memory_space<hbm>>, %arg5: memref<16384xf32, #tpu.memory_space<vmem>>, %arg6: memref<16384xf32, #tpu.memory_space<vmem>>, %arg7: memref<16384xf32, #tpu.memory_space<vmem>>, %arg8: memref<16384xf32, #tpu.memory_space<vmem>>, %arg9: memref<16xf32, #tpu.memory_space<vmem>>, %arg10: memref<16xf32, #tpu.memory_space<vmem>>, %arg11: memref<!tpu.dma_semaphore, #tpu.memory_space<semaphore_mem>>, %arg12: memref<!tpu.dma_semaphore, #tpu.memory_space<semaphore_mem>>, %arg13: memref<!tpu.dma_semaphore, #tpu.memory_space<semaphore_mem>>, %arg14: memref<!tpu.dma_semaphore, #tpu.memory_space<semaphore_mem>>) attributes {dimension_semantics = [#tpu.dimension_semantics<core_parallel>, #tpu.dimension_semantics<subcore_parallel>], iteration_bounds = array<i64: 2, 16>, scalar_prefetch = 0 : i64, scratch_operands = 10 : i64, tpu.core_type = #tpu.core_type<sc_vector_subcore>, window_params = [{transform_indices = #map}, {transform_indices = #map}, {transform_indices = #map}]} {
    %mul3A = arith.constant 2 : i32
    %mul3A_0 = arith.muli %arg1, %mul3A : i32
    %add3A = arith.addi %mul3A_0, %arg0 : i32
    %mul3A_1 = arith.constant 524288 : i32
    %mul3A_2 = arith.muli %add3A, %mul3A_1 : i32
    %add3A_3 = arith.constant 0 : i32
    %add3A_4 = arith.addi %mul3A_2, %add3A_3 : i32
    %dma_start3A = tpu.memref_slice %arg2[%add3A_4] : memref<16777216xf32, #tpu.memory_space<hbm>> -> memref<16384xf32, #tpu.memory_space<hbm>>
    %dma_start3A_5 = tpu.memref_slice %arg2[%add3A_4] : memref<16777216xf32, #tpu.memory_space<hbm>> -> memref<16384xf32, #tpu.memory_space<hbm>>
    tpu.enqueue_dma source(%dma_start3A_5 : memref<16384xf32, #tpu.memory_space<hbm>>) target(%arg5 : memref<16384xf32, #tpu.memory_space<vmem>>) target_semaphore(%arg11 : memref<!tpu.dma_semaphore, #tpu.memory_space<semaphore_mem>>)
    %add3A_6 = arith.constant 16384 : i32
    %add3A_7 = arith.addi %mul3A_2, %add3A_6 : i32
    %dma_start3A_8 = tpu.memref_slice %arg2[%add3A_7] : memref<16777216xf32, #tpu.memory_space<hbm>> -> memref<16384xf32, #tpu.memory_space<hbm>>
    %dma_start3A_9 = tpu.memref_slice %arg2[%add3A_7] : memref<16777216xf32, #tpu.memory_space<hbm>> -> memref<16384xf32, #tpu.memory_space<hbm>>
    tpu.enqueue_dma source(%dma_start3A_9 : memref<16384xf32, #tpu.memory_space<hbm>>) target(%arg6 : memref<16384xf32, #tpu.memory_space<vmem>>) target_semaphore(%arg12 : memref<!tpu.dma_semaphore, #tpu.memory_space<semaphore_mem>>)
    %add3A_10 = arith.constant 32768 : i32
    %add3A_11 = arith.addi %mul3A_2, %add3A_10 : i32
    %dma_start3A_12 = tpu.memref_slice %arg2[%add3A_11] : memref<16777216xf32, #tpu.memory_space<hbm>> -> memref<16384xf32, #tpu.memory_space<hbm>>
    %dma_start3A_13 = tpu.memref_slice %arg2[%add3A_11] : memref<16777216xf32, #tpu.memory_space<hbm>> -> memref<16384xf32, #tpu.memory_space<hbm>>
    tpu.enqueue_dma source(%dma_start3A_13 : memref<16384xf32, #tpu.memory_space<hbm>>) target(%arg7 : memref<16384xf32, #tpu.memory_space<vmem>>) target_semaphore(%arg13 : memref<!tpu.dma_semaphore, #tpu.memory_space<semaphore_mem>>)
    %add3A_14 = arith.constant 49152 : i32
    %add3A_15 = arith.addi %mul3A_2, %add3A_14 : i32
    %dma_start3A_16 = tpu.memref_slice %arg2[%add3A_15] : memref<16777216xf32, #tpu.memory_space<hbm>> -> memref<16384xf32, #tpu.memory_space<hbm>>
    %dma_start3A_17 = tpu.memref_slice %arg2[%add3A_15] : memref<16777216xf32, #tpu.memory_space<hbm>> -> memref<16384xf32, #tpu.memory_space<hbm>>
    tpu.enqueue_dma source(%dma_start3A_17 : memref<16384xf32, #tpu.memory_space<hbm>>) target(%arg8 : memref<16384xf32, #tpu.memory_space<vmem>>) target_semaphore(%arg14 : memref<!tpu.dma_semaphore, #tpu.memory_space<semaphore_mem>>)
    %broadcast_in_dim3A = arith.constant 0x7F800000 : f32
    %broadcast_in_dim3A_18 = vector.broadcast %broadcast_in_dim3A : f32 to vector<16xf32>
    %broadcast_in_dim3A_19 = arith.constant 0xFF800000 : f32
    %broadcast_in_dim3A_20 = vector.broadcast %broadcast_in_dim3A_19 : f32 to vector<16xf32>
    %scan3A = arith.constant 0 : i32
    %scan3A_21 = arith.constant 8 : i32
    %scan3A_22 = arith.addi %scan3A, %scan3A_21 : i32
    %scan3A_23 = arith.constant 1 : i32
    %scan3A_24:16 = scf.for %scan3A_49 = %scan3A to %scan3A_22 step %scan3A_23 iter_args(%scan3A_50 = %broadcast_in_dim3A_18, %scan3A_51 = %broadcast_in_dim3A_20, %scan3A_52 = %broadcast_in_dim3A_18, %scan3A_53 = %broadcast_in_dim3A_20, %scan3A_54 = %broadcast_in_dim3A_18, %scan3A_55 = %broadcast_in_dim3A_20, %scan3A_56 = %broadcast_in_dim3A_18, %scan3A_57 = %broadcast_in_dim3A_20, %scan3A_58 = %broadcast_in_dim3A_18, %scan3A_59 = %broadcast_in_dim3A_20, %scan3A_60 = %broadcast_in_dim3A_18, %scan3A_61 = %broadcast_in_dim3A_20, %scan3A_62 = %broadcast_in_dim3A_18, %scan3A_63 = %broadcast_in_dim3A_20, %scan3A_64 = %broadcast_in_dim3A_18, %scan3A_65 = %broadcast_in_dim3A_20) -> (vector<16xf32>, vector<16xf32>, vector<16xf32>, vector<16xf32>, vector<16xf32>, vector<16xf32>, vector<16xf32>, vector<16xf32>, vector<16xf32>, vector<16xf32>, vector<16xf32>, vector<16xf32>, vector<16xf32>, vector<16xf32>, vector<16xf32>, vector<16xf32>)  : i32 {
      %mul3A_66 = arith.constant 4 : i32
      %mul3A_67 = arith.muli %scan3A_49, %mul3A_66 : i32
      %add3A_68 = arith.constant 0 : i32
      %add3A_69 = arith.addi %mul3A_67, %add3A_68 : i32
      %mul3A_70 = arith.constant 16384 : i32
      %mul3A_71 = arith.muli %add3A_69, %mul3A_70 : i32
      %add3A_72 = arith.addi %mul3A_2, %mul3A_71 : i32
      %dma_wait3A = tpu.memref_slice %arg2[%add3A_72] : memref<16777216xf32, #tpu.memory_space<hbm>> -> memref<16384xf32, #tpu.memory_space<hbm>>
      %dma_wait3A_73 = tpu.memref_slice %arg2[%add3A_72] : memref<16777216xf32, #tpu.memory_space<hbm>> -> memref<16384xf32, #tpu.memory_space<hbm>>
      tpu.wait_dma2 semaphore(%arg11 : memref<!tpu.dma_semaphore, #tpu.memory_space<semaphore_mem>>) src(%dma_wait3A_73 : memref<16384xf32, #tpu.memory_space<hbm>>) dst(%arg5 : memref<16384xf32, #tpu.memory_space<vmem>>)
      %scan3A_74 = arith.constant 0 : i32
      %scan3A_75 = arith.constant 128 : i32
      %scan3A_76 = arith.addi %scan3A_74, %scan3A_75 : i32
      %scan3A_77 = arith.constant 1 : i32
      %scan3A_78:16 = scf.for %scan3A_150 = %scan3A_74 to %scan3A_76 step %scan3A_77 iter_args(%scan3A_151 = %scan3A_50, %scan3A_152 = %scan3A_51, %scan3A_153 = %scan3A_52, %scan3A_154 = %scan3A_53, %scan3A_155 = %scan3A_54, %scan3A_156 = %scan3A_55, %scan3A_157 = %scan3A_56, %scan3A_158 = %scan3A_57, %scan3A_159 = %scan3A_58, %scan3A_160 = %scan3A_59, %scan3A_161 = %scan3A_60, %scan3A_162 = %scan3A_61, %scan3A_163 = %scan3A_62, %scan3A_164 = %scan3A_63, %scan3A_165 = %scan3A_64, %scan3A_166 = %scan3A_65) -> (vector<16xf32>, vector<16xf32>, vector<16xf32>, vector<16xf32>, vector<16xf32>, vector<16xf32>, vector<16xf32>, vector<16xf32>, vector<16xf32>, vector<16xf32>, vector<16xf32>, vector<16xf32>, vector<16xf32>, vector<16xf32>, vector<16xf32>, vector<16xf32>)  : i32 {
        %mul3A_167 = arith.constant 128 : i32
        %mul3A_168 = arith.muli %scan3A_150, %mul3A_167 : i32
        %add3A_169 = arith.constant 0 : i32
        %add3A_170 = arith.addi %mul3A_168, %add3A_169 : i32
        %get3A = arith.index_cast %add3A_170 : i32 to index
        %get3A_171 = tpu.vector_load %arg5[%get3A] {strides = array<i32>} : memref<16384xf32, #tpu.memory_space<vmem>>, vector<16xf32>,
        %get3A_172 = vector.shape_cast %get3A_171 : vector<16xf32> to vector<16xf32>
        %min3A_173 = arith.minimumf %scan3A_151, %get3A_172 : vector<16xf32>
        %max3A_174 = arith.maximumf %scan3A_152, %get3A_172 : vector<16xf32>
        %add3A_175 = arith.constant 16 : i32
        %add3A_176 = arith.addi %mul3A_168, %add3A_175 : i32
        %get3A_177 = arith.index_cast %add3A_176 : i32 to index
        %get3A_178 = tpu.vector_load %arg5[%get3A_177] {strides = array<i32>} : memref<16384xf32, #tpu.memory_space<vmem>>, vector<16xf32>,
        %get3A_179 = vector.shape_cast %get3A_178 : vector<16xf32> to vector<16xf32>
        %min3A_180 = arith.minimumf %scan3A_153, %get3A_179 : vector<16xf32>
        %max3A_181 = arith.maximumf %scan3A_154, %get3A_179 : vector<16xf32>
        %add3A_182 = arith.constant 32 : i32
        %add3A_183 = arith.addi %mul3A_168, %add3A_182 : i32
        %get3A_184 = arith.index_cast %add3A_183 : i32 to index
        %get3A_185 = tpu.vector_load %arg5[%get3A_184] {strides = array<i32>} : memref<16384xf32, #tpu.memory_space<vmem>>, vector<16xf32>,
        %get3A_186 = vector.shape_cast %get3A_185 : vector<16xf32> to vector<16xf32>
        %min3A_187 = arith.minimumf %scan3A_155, %get3A_186 : vector<16xf32>
        %max3A_188 = arith.maximumf %scan3A_156, %get3A_186 : vector<16xf32>
        %add3A_189 = arith.constant 48 : i32
        %add3A_190 = arith.addi %mul3A_168, %add3A_189 : i32
        %get3A_191 = arith.index_cast %add3A_190 : i32 to index
        %get3A_192 = tpu.vector_load %arg5[%get3A_191] {strides = array<i32>} : memref<16384xf32, #tpu.memory_space<vmem>>, vector<16xf32>,
        %get3A_193 = vector.shape_cast %get3A_192 : vector<16xf32> to vector<16xf32>
        %min3A_194 = arith.minimumf %scan3A_157, %get3A_193 : vector<16xf32>
        %max3A_195 = arith.maximumf %scan3A_158, %get3A_193 : vector<16xf32>
        %add3A_196 = arith.constant 64 : i32
        %add3A_197 = arith.addi %mul3A_168, %add3A_196 : i32
        %get3A_198 = arith.index_cast %add3A_197 : i32 to index
        %get3A_199 = tpu.vector_load %arg5[%get3A_198] {strides = array<i32>} : memref<16384xf32, #tpu.memory_space<vmem>>, vector<16xf32>,
        %get3A_200 = vector.shape_cast %get3A_199 : vector<16xf32> to vector<16xf32>
        %min3A_201 = arith.minimumf %scan3A_159, %get3A_200 : vector<16xf32>
        %max3A_202 = arith.maximumf %scan3A_160, %get3A_200 : vector<16xf32>
        %add3A_203 = arith.constant 80 : i32
        %add3A_204 = arith.addi %mul3A_168, %add3A_203 : i32
        %get3A_205 = arith.index_cast %add3A_204 : i32 to index
        %get3A_206 = tpu.vector_load %arg5[%get3A_205] {strides = array<i32>} : memref<16384xf32, #tpu.memory_space<vmem>>, vector<16xf32>,
        %get3A_207 = vector.shape_cast %get3A_206 : vector<16xf32> to vector<16xf32>
        %min3A_208 = arith.minimumf %scan3A_161, %get3A_207 : vector<16xf32>
        %max3A_209 = arith.maximumf %scan3A_162, %get3A_207 : vector<16xf32>
        %add3A_210 = arith.constant 96 : i32
        %add3A_211 = arith.addi %mul3A_168, %add3A_210 : i32
        %get3A_212 = arith.index_cast %add3A_211 : i32 to index
        %get3A_213 = tpu.vector_load %arg5[%get3A_212] {strides = array<i32>} : memref<16384xf32, #tpu.memory_space<vmem>>, vector<16xf32>,
        %get3A_214 = vector.shape_cast %get3A_213 : vector<16xf32> to vector<16xf32>
        %min3A_215 = arith.minimumf %scan3A_163, %get3A_214 : vector<16xf32>
        %max3A_216 = arith.maximumf %scan3A_164, %get3A_214 : vector<16xf32>
        %add3A_217 = arith.constant 112 : i32
        %add3A_218 = arith.addi %mul3A_168, %add3A_217 : i32
        %get3A_219 = arith.index_cast %add3A_218 : i32 to index
        %get3A_220 = tpu.vector_load %arg5[%get3A_219] {strides = array<i32>} : memref<16384xf32, #tpu.memory_space<vmem>>, vector<16xf32>,
        %get3A_221 = vector.shape_cast %get3A_220 : vector<16xf32> to vector<16xf32>
        %min3A_222 = arith.minimumf %scan3A_165, %get3A_221 : vector<16xf32>
        %max3A_223 = arith.maximumf %scan3A_166, %get3A_221 : vector<16xf32>
        scf.yield %min3A_173, %max3A_174, %min3A_180, %max3A_181, %min3A_187, %max3A_188, %min3A_194, %max3A_195, %min3A_201, %max3A_202, %min3A_208, %max3A_209, %min3A_215, %max3A_216, %min3A_222, %max3A_223 : vector<16xf32>, vector<16xf32>, vector<16xf32>, vector<16xf32>, vector<16xf32>, vector<16xf32>, vector<16xf32>, vector<16xf32>, vector<16xf32>, vector<16xf32>, vector<16xf32>, vector<16xf32>, vector<16xf32>, vector<16xf32>, vector<16xf32>, vector<16xf32>
      }
      %scan3A_79 = arith.constant 128 : i32
      %add3A_80 = arith.constant 4 : i32
      %add3A_81 = arith.addi %add3A_69, %add3A_80 : i32
      %lt3A = arith.constant 32 : i32
      %lt3A_82 = arith.cmpi slt, %add3A_81, %lt3A : i32
      %convert_element_type3A = arith.extui %lt3A_82 : i1 to i32
      %cond3A = arith.constant 0 : i32
      %cond3A_83 = arith.cmpi ne, %convert_element_type3A, %cond3A : i32
      scf.if %cond3A_83 {
        %mul3A_150 = arith.constant 16384 : i32
        %mul3A_151 = arith.muli %add3A_81, %mul3A_150 : i32
        %add3A_152 = arith.addi %mul3A_2, %mul3A_151 : i32
        %dma_start3A_153 = tpu.memref_slice %arg2[%add3A_152] : memref<16777216xf32, #tpu.memory_space<hbm>> -> memref<16384xf32, #tpu.memory_space<hbm>>
        %dma_start3A_154 = tpu.memref_slice %arg2[%add3A_152] : memref<16777216xf32, #tpu.memory_space<hbm>> -> memref<16384xf32, #tpu.memory_space<hbm>>
        tpu.enqueue_dma source(%dma_start3A_154 : memref<16384xf32, #tpu.memory_space<hbm>>) target(%arg5 : memref<16384xf32, #tpu.memory_space<vmem>>) target_semaphore(%arg11 : memref<!tpu.dma_semaphore, #tpu.memory_space<semaphore_mem>>)
      } else {
      }
      %mul3A_84 = arith.constant 4 : i32
      %mul3A_85 = arith.muli %scan3A_49, %mul3A_84 : i32
      %add3A_86 = arith.constant 1 : i32
      %add3A_87 = arith.addi %mul3A_85, %add3A_86 : i32
      %mul3A_88 = arith.constant 16384 : i32
      %mul3A_89 = arith.muli %add3A_87, %mul3A_88 : i32
      %add3A_90 = arith.addi %mul3A_2, %mul3A_89 : i32
      %dma_wait3A_91 = tpu.memref_slice %arg2[%add3A_90] : memref<16777216xf32, #tpu.memory_space<hbm>> -> memref<16384xf32, #tpu.memory_space<hbm>>
      %dma_wait3A_92 = tpu.memref_slice %arg2[%add3A_90] : memref<16777216xf32, #tpu.memory_space<hbm>> -> memref<16384xf32, #tpu.memory_space<hbm>>
      tpu.wait_dma2 semaphore(%arg12 : memref<!tpu.dma_semaphore, #tpu.memory_space<semaphore_mem>>) src(%dma_wait3A_92 : memref<16384xf32, #tpu.memory_space<hbm>>) dst(%arg6 : memref<16384xf32, #tpu.memory_space<vmem>>)
      %scan3A_93 = arith.constant 0 : i32
      %scan3A_94 = arith.constant 128 : i32
      %scan3A_95 = arith.addi %scan3A_93, %scan3A_94 : i32
      %scan3A_96 = arith.constant 1 : i32
      %scan3A_97:16 = scf.for %scan3A_150 = %scan3A_93 to %scan3A_95 step %scan3A_96 iter_args(%scan3A_151 = %scan3A_78#0, %scan3A_152 = %scan3A_78#1, %scan3A_153 = %scan3A_78#2, %scan3A_154 = %scan3A_78#3, %scan3A_155 = %scan3A_78#4, %scan3A_156 = %scan3A_78#5, %scan3A_157 = %scan3A_78#6, %scan3A_158 = %scan3A_78#7, %scan3A_159 = %scan3A_78#8, %scan3A_160 = %scan3A_78#9, %scan3A_161 = %scan3A_78#10, %scan3A_162 = %scan3A_78#11, %scan3A_163 = %scan3A_78#12, %scan3A_164 = %scan3A_78#13, %scan3A_165 = %scan3A_78#14, %scan3A_166 = %scan3A_78#15) -> (vector<16xf32>, vector<16xf32>, vector<16xf32>, vector<16xf32>, vector<16xf32>, vector<16xf32>, vector<16xf32>, vector<16xf32>, vector<16xf32>, vector<16xf32>, vector<16xf32>, vector<16xf32>, vector<16xf32>, vector<16xf32>, vector<16xf32>, vector<16xf32>)  : i32 {
        %mul3A_167 = arith.constant 128 : i32
        %mul3A_168 = arith.muli %scan3A_150, %mul3A_167 : i32
        %add3A_169 = arith.constant 0 : i32
        %add3A_170 = arith.addi %mul3A_168, %add3A_169 : i32
        %get3A = arith.index_cast %add3A_170 : i32 to index
        %get3A_171 = tpu.vector_load %arg6[%get3A] {strides = array<i32>} : memref<16384xf32, #tpu.memory_space<vmem>>, vector<16xf32>,
        %get3A_172 = vector.shape_cast %get3A_171 : vector<16xf32> to vector<16xf32>
        %min3A_173 = arith.minimumf %scan3A_151, %get3A_172 : vector<16xf32>
        %max3A_174 = arith.maximumf %scan3A_152, %get3A_172 : vector<16xf32>
        %add3A_175 = arith.constant 16 : i32
        %add3A_176 = arith.addi %mul3A_168, %add3A_175 : i32
        %get3A_177 = arith.index_cast %add3A_176 : i32 to index
        %get3A_178 = tpu.vector_load %arg6[%get3A_177] {strides = array<i32>} : memref<16384xf32, #tpu.memory_space<vmem>>, vector<16xf32>,
        %get3A_179 = vector.shape_cast %get3A_178 : vector<16xf32> to vector<16xf32>
        %min3A_180 = arith.minimumf %scan3A_153, %get3A_179 : vector<16xf32>
        %max3A_181 = arith.maximumf %scan3A_154, %get3A_179 : vector<16xf32>
        %add3A_182 = arith.constant 32 : i32
        %add3A_183 = arith.addi %mul3A_168, %add3A_182 : i32
        %get3A_184 = arith.index_cast %add3A_183 : i32 to index
        %get3A_185 = tpu.vector_load %arg6[%get3A_184] {strides = array<i32>} : memref<16384xf32, #tpu.memory_space<vmem>>, vector<16xf32>,
        %get3A_186 = vector.shape_cast %get3A_185 : vector<16xf32> to vector<16xf32>
        %min3A_187 = arith.minimumf %scan3A_155, %get3A_186 : vector<16xf32>
        %max3A_188 = arith.maximumf %scan3A_156, %get3A_186 : vector<16xf32>
        %add3A_189 = arith.constant 48 : i32
        %add3A_190 = arith.addi %mul3A_168, %add3A_189 : i32
        %get3A_191 = arith.index_cast %add3A_190 : i32 to index
        %get3A_192 = tpu.vector_load %arg6[%get3A_191] {strides = array<i32>} : memref<16384xf32, #tpu.memory_space<vmem>>, vector<16xf32>,
        %get3A_193 = vector.shape_cast %get3A_192 : vector<16xf32> to vector<16xf32>
        %min3A_194 = arith.minimumf %scan3A_157, %get3A_193 : vector<16xf32>
        %max3A_195 = arith.maximumf %scan3A_158, %get3A_193 : vector<16xf32>
        %add3A_196 = arith.constant 64 : i32
        %add3A_197 = arith.addi %mul3A_168, %add3A_196 : i32
        %get3A_198 = arith.index_cast %add3A_197 : i32 to index
        %get3A_199 = tpu.vector_load %arg6[%get3A_198] {strides = array<i32>} : memref<16384xf32, #tpu.memory_space<vmem>>, vector<16xf32>,
        %get3A_200 = vector.shape_cast %get3A_199 : vector<16xf32> to vector<16xf32>
        %min3A_201 = arith.minimumf %scan3A_159, %get3A_200 : vector<16xf32>
        %max3A_202 = arith.maximumf %scan3A_160, %get3A_200 : vector<16xf32>
        %add3A_203 = arith.constant 80 : i32
        %add3A_204 = arith.addi %mul3A_168, %add3A_203 : i32
        %get3A_205 = arith.index_cast %add3A_204 : i32 to index
        %get3A_206 = tpu.vector_load %arg6[%get3A_205] {strides = array<i32>} : memref<16384xf32, #tpu.memory_space<vmem>>, vector<16xf32>,
        %get3A_207 = vector.shape_cast %get3A_206 : vector<16xf32> to vector<16xf32>
        %min3A_208 = arith.minimumf %scan3A_161, %get3A_207 : vector<16xf32>
        %max3A_209 = arith.maximumf %scan3A_162, %get3A_207 : vector<16xf32>
        %add3A_210 = arith.constant 96 : i32
        %add3A_211 = arith.addi %mul3A_168, %add3A_210 : i32
        %get3A_212 = arith.index_cast %add3A_211 : i32 to index
        %get3A_213 = tpu.vector_load %arg6[%get3A_212] {strides = array<i32>} : memref<16384xf32, #tpu.memory_space<vmem>>, vector<16xf32>,
        %get3A_214 = vector.shape_cast %get3A_213 : vector<16xf32> to vector<16xf32>
        %min3A_215 = arith.minimumf %scan3A_163, %get3A_214 : vector<16xf32>
        %max3A_216 = arith.maximumf %scan3A_164, %get3A_214 : vector<16xf32>
        %add3A_217 = arith.constant 112 : i32
        %add3A_218 = arith.addi %mul3A_168, %add3A_217 : i32
        %get3A_219 = arith.index_cast %add3A_218 : i32 to index
        %get3A_220 = tpu.vector_load %arg6[%get3A_219] {strides = array<i32>} : memref<16384xf32, #tpu.memory_space<vmem>>, vector<16xf32>,
        %get3A_221 = vector.shape_cast %get3A_220 : vector<16xf32> to vector<16xf32>
        %min3A_222 = arith.minimumf %scan3A_165, %get3A_221 : vector<16xf32>
        %max3A_223 = arith.maximumf %scan3A_166, %get3A_221 : vector<16xf32>
        scf.yield %min3A_173, %max3A_174, %min3A_180, %max3A_181, %min3A_187, %max3A_188, %min3A_194, %max3A_195, %min3A_201, %max3A_202, %min3A_208, %max3A_209, %min3A_215, %max3A_216, %min3A_222, %max3A_223 : vector<16xf32>, vector<16xf32>, vector<16xf32>, vector<16xf32>, vector<16xf32>, vector<16xf32>, vector<16xf32>, vector<16xf32>, vector<16xf32>, vector<16xf32>, vector<16xf32>, vector<16xf32>, vector<16xf32>, vector<16xf32>, vector<16xf32>, vector<16xf32>
      }
      %scan3A_98 = arith.constant 128 : i32
      %add3A_99 = arith.constant 4 : i32
      %add3A_100 = arith.addi %add3A_87, %add3A_99 : i32
      %lt3A_101 = arith.constant 32 : i32
      %lt3A_102 = arith.cmpi slt, %add3A_100, %lt3A_101 : i32
      %convert_element_type3A_103 = arith.extui %lt3A_102 : i1 to i32
      %cond3A_104 = arith.constant 0 : i32
      %cond3A_105 = arith.cmpi ne, %convert_element_type3A_103, %cond3A_104 : i32
      scf.if %cond3A_105 {
        %mul3A_150 = arith.constant 16384 : i32
        %mul3A_151 = arith.muli %add3A_100, %mul3A_150 : i32
        %add3A_152 = arith.addi %mul3A_2, %mul3A_151 : i32
        %dma_start3A_153 = tpu.memref_slice %arg2[%add3A_152] : memref<16777216xf32, #tpu.memory_space<hbm>> -> memref<16384xf32, #tpu.memory_space<hbm>>
        %dma_start3A_154 = tpu.memref_slice %arg2[%add3A_152] : memref<16777216xf32, #tpu.memory_space<hbm>> -> memref<16384xf32, #tpu.memory_space<hbm>>
        tpu.enqueue_dma source(%dma_start3A_154 : memref<16384xf32, #tpu.memory_space<hbm>>) target(%arg6 : memref<16384xf32, #tpu.memory_space<vmem>>) target_semaphore(%arg12 : memref<!tpu.dma_semaphore, #tpu.memory_space<semaphore_mem>>)
      } else {
      }
      %mul3A_106 = arith.constant 4 : i32
      %mul3A_107 = arith.muli %scan3A_49, %mul3A_106 : i32
      %add3A_108 = arith.constant 2 : i32
      %add3A_109 = arith.addi %mul3A_107, %add3A_108 : i32
      %mul3A_110 = arith.constant 16384 : i32
      %mul3A_111 = arith.muli %add3A_109, %mul3A_110 : i32
      %add3A_112 = arith.addi %mul3A_2, %mul3A_111 : i32
      %dma_wait3A_113 = tpu.memref_slice %arg2[%add3A_112] : memref<16777216xf32, #tpu.memory_space<hbm>> -> memref<16384xf32, #tpu.memory_space<hbm>>
      %dma_wait3A_114 = tpu.memref_slice %arg2[%add3A_112] : memref<16777216xf32, #tpu.memory_space<hbm>> -> memref<16384xf32, #tpu.memory_space<hbm>>
      tpu.wait_dma2 semaphore(%arg13 : memref<!tpu.dma_semaphore, #tpu.memory_space<semaphore_mem>>) src(%dma_wait3A_114 : memref<16384xf32, #tpu.memory_space<hbm>>) dst(%arg7 : memref<16384xf32, #tpu.memory_space<vmem>>)
      %scan3A_115 = arith.constant 0 : i32
      %scan3A_116 = arith.constant 128 : i32
      %scan3A_117 = arith.addi %scan3A_115, %scan3A_116 : i32
      %scan3A_118 = arith.constant 1 : i32
      %scan3A_119:16 = scf.for %scan3A_150 = %scan3A_115 to %scan3A_117 step %scan3A_118 iter_args(%scan3A_151 = %scan3A_97#0, %scan3A_152 = %scan3A_97#1, %scan3A_153 = %scan3A_97#2, %scan3A_154 = %scan3A_97#3, %scan3A_155 = %scan3A_97#4, %scan3A_156 = %scan3A_97#5, %scan3A_157 = %scan3A_97#6, %scan3A_158 = %scan3A_97#7, %scan3A_159 = %scan3A_97#8, %scan3A_160 = %scan3A_97#9, %scan3A_161 = %scan3A_97#10, %scan3A_162 = %scan3A_97#11, %scan3A_163 = %scan3A_97#12, %scan3A_164 = %scan3A_97#13, %scan3A_165 = %scan3A_97#14, %scan3A_166 = %scan3A_97#15) -> (vector<16xf32>, vector<16xf32>, vector<16xf32>, vector<16xf32>, vector<16xf32>, vector<16xf32>, vector<16xf32>, vector<16xf32>, vector<16xf32>, vector<16xf32>, vector<16xf32>, vector<16xf32>, vector<16xf32>, vector<16xf32>, vector<16xf32>, vector<16xf32>)  : i32 {
        %mul3A_167 = arith.constant 128 : i32
        %mul3A_168 = arith.muli %scan3A_150, %mul3A_167 : i32
        %add3A_169 = arith.constant 0 : i32
        %add3A_170 = arith.addi %mul3A_168, %add3A_169 : i32
        %get3A = arith.index_cast %add3A_170 : i32 to index
        %get3A_171 = tpu.vector_load %arg7[%get3A] {strides = array<i32>} : memref<16384xf32, #tpu.memory_space<vmem>>, vector<16xf32>,
        %get3A_172 = vector.shape_cast %get3A_171 : vector<16xf32> to vector<16xf32>
        %min3A_173 = arith.minimumf %scan3A_151, %get3A_172 : vector<16xf32>
        %max3A_174 = arith.maximumf %scan3A_152, %get3A_172 : vector<16xf32>
        %add3A_175 = arith.constant 16 : i32
        %add3A_176 = arith.addi %mul3A_168, %add3A_175 : i32
        %get3A_177 = arith.index_cast %add3A_176 : i32 to index
        %get3A_178 = tpu.vector_load %arg7[%get3A_177] {strides = array<i32>} : memref<16384xf32, #tpu.memory_space<vmem>>, vector<16xf32>,
        %get3A_179 = vector.shape_cast %get3A_178 : vector<16xf32> to vector<16xf32>
        %min3A_180 = arith.minimumf %scan3A_153, %get3A_179 : vector<16xf32>
        %max3A_181 = arith.maximumf %scan3A_154, %get3A_179 : vector<16xf32>
        %add3A_182 = arith.constant 32 : i32
        %add3A_183 = arith.addi %mul3A_168, %add3A_182 : i32
        %get3A_184 = arith.index_cast %add3A_183 : i32 to index
        %get3A_185 = tpu.vector_load %arg7[%get3A_184] {strides = array<i32>} : memref<16384xf32, #tpu.memory_space<vmem>>, vector<16xf32>,
        %get3A_186 = vector.shape_cast %get3A_185 : vector<16xf32> to vector<16xf32>
        %min3A_187 = arith.minimumf %scan3A_155, %get3A_186 : vector<16xf32>
        %max3A_188 = arith.maximumf %scan3A_156, %get3A_186 : vector<16xf32>
        %add3A_189 = arith.constant 48 : i32
        %add3A_190 = arith.addi %mul3A_168, %add3A_189 : i32
        %get3A_191 = arith.index_cast %add3A_190 : i32 to index
        %get3A_192 = tpu.vector_load %arg7[%get3A_191] {strides = array<i32>} : memref<16384xf32, #tpu.memory_space<vmem>>, vector<16xf32>,
        %get3A_193 = vector.shape_cast %get3A_192 : vector<16xf32> to vector<16xf32>
        %min3A_194 = arith.minimumf %scan3A_157, %get3A_193 : vector<16xf32>
        %max3A_195 = arith.maximumf %scan3A_158, %get3A_193 : vector<16xf32>
        %add3A_196 = arith.constant 64 : i32
        %add3A_197 = arith.addi %mul3A_168, %add3A_196 : i32
        %get3A_198 = arith.index_cast %add3A_197 : i32 to index
        %get3A_199 = tpu.vector_load %arg7[%get3A_198] {strides = array<i32>} : memref<16384xf32, #tpu.memory_space<vmem>>, vector<16xf32>,
        %get3A_200 = vector.shape_cast %get3A_199 : vector<16xf32> to vector<16xf32>
        %min3A_201 = arith.minimumf %scan3A_159, %get3A_200 : vector<16xf32>
        %max3A_202 = arith.maximumf %scan3A_160, %get3A_200 : vector<16xf32>
        %add3A_203 = arith.constant 80 : i32
        %add3A_204 = arith.addi %mul3A_168, %add3A_203 : i32
        %get3A_205 = arith.index_cast %add3A_204 : i32 to index
        %get3A_206 = tpu.vector_load %arg7[%get3A_205] {strides = array<i32>} : memref<16384xf32, #tpu.memory_space<vmem>>, vector<16xf32>,
        %get3A_207 = vector.shape_cast %get3A_206 : vector<16xf32> to vector<16xf32>
        %min3A_208 = arith.minimumf %scan3A_161, %get3A_207 : vector<16xf32>
        %max3A_209 = arith.maximumf %scan3A_162, %get3A_207 : vector<16xf32>
        %add3A_210 = arith.constant 96 : i32
        %add3A_211 = arith.addi %mul3A_168, %add3A_210 : i32
        %get3A_212 = arith.index_cast %add3A_211 : i32 to index
        %get3A_213 = tpu.vector_load %arg7[%get3A_212] {strides = array<i32>} : memref<16384xf32, #tpu.memory_space<vmem>>, vector<16xf32>,
        %get3A_214 = vector.shape_cast %get3A_213 : vector<16xf32> to vector<16xf32>
        %min3A_215 = arith.minimumf %scan3A_163, %get3A_214 : vector<16xf32>
        %max3A_216 = arith.maximumf %scan3A_164, %get3A_214 : vector<16xf32>
        %add3A_217 = arith.constant 112 : i32
        %add3A_218 = arith.addi %mul3A_168, %add3A_217 : i32
        %get3A_219 = arith.index_cast %add3A_218 : i32 to index
        %get3A_220 = tpu.vector_load %arg7[%get3A_219] {strides = array<i32>} : memref<16384xf32, #tpu.memory_space<vmem>>, vector<16xf32>,
        %get3A_221 = vector.shape_cast %get3A_220 : vector<16xf32> to vector<16xf32>
        %min3A_222 = arith.minimumf %scan3A_165, %get3A_221 : vector<16xf32>
        %max3A_223 = arith.maximumf %scan3A_166, %get3A_221 : vector<16xf32>
        scf.yield %min3A_173, %max3A_174, %min3A_180, %max3A_181, %min3A_187, %max3A_188, %min3A_194, %max3A_195, %min3A_201, %max3A_202, %min3A_208, %max3A_209, %min3A_215, %max3A_216, %min3A_222, %max3A_223 : vector<16xf32>, vector<16xf32>, vector<16xf32>, vector<16xf32>, vector<16xf32>, vector<16xf32>, vector<16xf32>, vector<16xf32>, vector<16xf32>, vector<16xf32>, vector<16xf32>, vector<16xf32>, vector<16xf32>, vector<16xf32>, vector<16xf32>, vector<16xf32>
      }
      %scan3A_120 = arith.constant 128 : i32
      %add3A_121 = arith.constant 4 : i32
      %add3A_122 = arith.addi %add3A_109, %add3A_121 : i32
      %lt3A_123 = arith.constant 32 : i32
      %lt3A_124 = arith.cmpi slt, %add3A_122, %lt3A_123 : i32
      %convert_element_type3A_125 = arith.extui %lt3A_124 : i1 to i32
      %cond3A_126 = arith.constant 0 : i32
      %cond3A_127 = arith.cmpi ne, %convert_element_type3A_125, %cond3A_126 : i32
      scf.if %cond3A_127 {
        %mul3A_150 = arith.constant 16384 : i32
        %mul3A_151 = arith.muli %add3A_122, %mul3A_150 : i32
        %add3A_152 = arith.addi %mul3A_2, %mul3A_151 : i32
        %dma_start3A_153 = tpu.memref_slice %arg2[%add3A_152] : memref<16777216xf32, #tpu.memory_space<hbm>> -> memref<16384xf32, #tpu.memory_space<hbm>>
        %dma_start3A_154 = tpu.memref_slice %arg2[%add3A_152] : memref<16777216xf32, #tpu.memory_space<hbm>> -> memref<16384xf32, #tpu.memory_space<hbm>>
        tpu.enqueue_dma source(%dma_start3A_154 : memref<16384xf32, #tpu.memory_space<hbm>>) target(%arg7 : memref<16384xf32, #tpu.memory_space<vmem>>) target_semaphore(%arg13 : memref<!tpu.dma_semaphore, #tpu.memory_space<semaphore_mem>>)
      } else {
      }
      %mul3A_128 = arith.constant 4 : i32
      %mul3A_129 = arith.muli %scan3A_49, %mul3A_128 : i32
      %add3A_130 = arith.constant 3 : i32
      %add3A_131 = arith.addi %mul3A_129, %add3A_130 : i32
      %mul3A_132 = arith.constant 16384 : i32
      %mul3A_133 = arith.muli %add3A_131, %mul3A_132 : i32
      %add3A_134 = arith.addi %mul3A_2, %mul3A_133 : i32
      %dma_wait3A_135 = tpu.memref_slice %arg2[%add3A_134] : memref<16777216xf32, #tpu.memory_space<hbm>> -> memref<16384xf32, #tpu.memory_space<hbm>>
      %dma_wait3A_136 = tpu.memref_slice %arg2[%add3A_134] : memref<16777216xf32, #tpu.memory_space<hbm>> -> memref<16384xf32, #tpu.memory_space<hbm>>
      tpu.wait_dma2 semaphore(%arg14 : memref<!tpu.dma_semaphore, #tpu.memory_space<semaphore_mem>>) src(%dma_wait3A_136 : memref<16384xf32, #tpu.memory_space<hbm>>) dst(%arg8 : memref<16384xf32, #tpu.memory_space<vmem>>)
      %scan3A_137 = arith.constant 0 : i32
      %scan3A_138 = arith.constant 128 : i32
      %scan3A_139 = arith.addi %scan3A_137, %scan3A_138 : i32
      %scan3A_140 = arith.constant 1 : i32
      %scan3A_141:16 = scf.for %scan3A_150 = %scan3A_137 to %scan3A_139 step %scan3A_140 iter_args(%scan3A_151 = %scan3A_119#0, %scan3A_152 = %scan3A_119#1, %scan3A_153 = %scan3A_119#2, %scan3A_154 = %scan3A_119#3, %scan3A_155 = %scan3A_119#4, %scan3A_156 = %scan3A_119#5, %scan3A_157 = %scan3A_119#6, %scan3A_158 = %scan3A_119#7, %scan3A_159 = %scan3A_119#8, %scan3A_160 = %scan3A_119#9, %scan3A_161 = %scan3A_119#10, %scan3A_162 = %scan3A_119#11, %scan3A_163 = %scan3A_119#12, %scan3A_164 = %scan3A_119#13, %scan3A_165 = %scan3A_119#14, %scan3A_166 = %scan3A_119#15) -> (vector<16xf32>, vector<16xf32>, vector<16xf32>, vector<16xf32>, vector<16xf32>, vector<16xf32>, vector<16xf32>, vector<16xf32>, vector<16xf32>, vector<16xf32>, vector<16xf32>, vector<16xf32>, vector<16xf32>, vector<16xf32>, vector<16xf32>, vector<16xf32>)  : i32 {
        %mul3A_167 = arith.constant 128 : i32
        %mul3A_168 = arith.muli %scan3A_150, %mul3A_167 : i32
        %add3A_169 = arith.constant 0 : i32
        %add3A_170 = arith.addi %mul3A_168, %add3A_169 : i32
        %get3A = arith.index_cast %add3A_170 : i32 to index
        %get3A_171 = tpu.vector_load %arg8[%get3A] {strides = array<i32>} : memref<16384xf32, #tpu.memory_space<vmem>>, vector<16xf32>,
        %get3A_172 = vector.shape_cast %get3A_171 : vector<16xf32> to vector<16xf32>
        %min3A_173 = arith.minimumf %scan3A_151, %get3A_172 : vector<16xf32>
        %max3A_174 = arith.maximumf %scan3A_152, %get3A_172 : vector<16xf32>
        %add3A_175 = arith.constant 16 : i32
        %add3A_176 = arith.addi %mul3A_168, %add3A_175 : i32
        %get3A_177 = arith.index_cast %add3A_176 : i32 to index
        %get3A_178 = tpu.vector_load %arg8[%get3A_177] {strides = array<i32>} : memref<16384xf32, #tpu.memory_space<vmem>>, vector<16xf32>,
        %get3A_179 = vector.shape_cast %get3A_178 : vector<16xf32> to vector<16xf32>
        %min3A_180 = arith.minimumf %scan3A_153, %get3A_179 : vector<16xf32>
        %max3A_181 = arith.maximumf %scan3A_154, %get3A_179 : vector<16xf32>
        %add3A_182 = arith.constant 32 : i32
        %add3A_183 = arith.addi %mul3A_168, %add3A_182 : i32
        %get3A_184 = arith.index_cast %add3A_183 : i32 to index
        %get3A_185 = tpu.vector_load %arg8[%get3A_184] {strides = array<i32>} : memref<16384xf32, #tpu.memory_space<vmem>>, vector<16xf32>,
        %get3A_186 = vector.shape_cast %get3A_185 : vector<16xf32> to vector<16xf32>
        %min3A_187 = arith.minimumf %scan3A_155, %get3A_186 : vector<16xf32>
        %max3A_188 = arith.maximumf %scan3A_156, %get3A_186 : vector<16xf32>
        %add3A_189 = arith.constant 48 : i32
        %add3A_190 = arith.addi %mul3A_168, %add3A_189 : i32
        %get3A_191 = arith.index_cast %add3A_190 : i32 to index
        %get3A_192 = tpu.vector_load %arg8[%get3A_191] {strides = array<i32>} : memref<16384xf32, #tpu.memory_space<vmem>>, vector<16xf32>,
        %get3A_193 = vector.shape_cast %get3A_192 : vector<16xf32> to vector<16xf32>
        %min3A_194 = arith.minimumf %scan3A_157, %get3A_193 : vector<16xf32>
        %max3A_195 = arith.maximumf %scan3A_158, %get3A_193 : vector<16xf32>
        %add3A_196 = arith.constant 64 : i32
        %add3A_197 = arith.addi %mul3A_168, %add3A_196 : i32
        %get3A_198 = arith.index_cast %add3A_197 : i32 to index
        %get3A_199 = tpu.vector_load %arg8[%get3A_198] {strides = array<i32>} : memref<16384xf32, #tpu.memory_space<vmem>>, vector<16xf32>,
        %get3A_200 = vector.shape_cast %get3A_199 : vector<16xf32> to vector<16xf32>
        %min3A_201 = arith.minimumf %scan3A_159, %get3A_200 : vector<16xf32>
        %max3A_202 = arith.maximumf %scan3A_160, %get3A_200 : vector<16xf32>
        %add3A_203 = arith.constant 80 : i32
        %add3A_204 = arith.addi %mul3A_168, %add3A_203 : i32
        %get3A_205 = arith.index_cast %add3A_204 : i32 to index
        %get3A_206 = tpu.vector_load %arg8[%get3A_205] {strides = array<i32>} : memref<16384xf32, #tpu.memory_space<vmem>>, vector<16xf32>,
        %get3A_207 = vector.shape_cast %get3A_206 : vector<16xf32> to vector<16xf32>
        %min3A_208 = arith.minimumf %scan3A_161, %get3A_207 : vector<16xf32>
        %max3A_209 = arith.maximumf %scan3A_162, %get3A_207 : vector<16xf32>
        %add3A_210 = arith.constant 96 : i32
        %add3A_211 = arith.addi %mul3A_168, %add3A_210 : i32
        %get3A_212 = arith.index_cast %add3A_211 : i32 to index
        %get3A_213 = tpu.vector_load %arg8[%get3A_212] {strides = array<i32>} : memref<16384xf32, #tpu.memory_space<vmem>>, vector<16xf32>,
        %get3A_214 = vector.shape_cast %get3A_213 : vector<16xf32> to vector<16xf32>
        %min3A_215 = arith.minimumf %scan3A_163, %get3A_214 : vector<16xf32>
        %max3A_216 = arith.maximumf %scan3A_164, %get3A_214 : vector<16xf32>
        %add3A_217 = arith.constant 112 : i32
        %add3A_218 = arith.addi %mul3A_168, %add3A_217 : i32
        %get3A_219 = arith.index_cast %add3A_218 : i32 to index
        %get3A_220 = tpu.vector_load %arg8[%get3A_219] {strides = array<i32>} : memref<16384xf32, #tpu.memory_space<vmem>>, vector<16xf32>,
        %get3A_221 = vector.shape_cast %get3A_220 : vector<16xf32> to vector<16xf32>
        %min3A_222 = arith.minimumf %scan3A_165, %get3A_221 : vector<16xf32>
        %max3A_223 = arith.maximumf %scan3A_166, %get3A_221 : vector<16xf32>
        scf.yield %min3A_173, %max3A_174, %min3A_180, %max3A_181, %min3A_187, %max3A_188, %min3A_194, %max3A_195, %min3A_201, %max3A_202, %min3A_208, %max3A_209, %min3A_215, %max3A_216, %min3A_222, %max3A_223 : vector<16xf32>, vector<16xf32>, vector<16xf32>, vector<16xf32>, vector<16xf32>, vector<16xf32>, vector<16xf32>, vector<16xf32>, vector<16xf32>, vector<16xf32>, vector<16xf32>, vector<16xf32>, vector<16xf32>, vector<16xf32>, vector<16xf32>, vector<16xf32>
      }
      %scan3A_142 = arith.constant 128 : i32
      %add3A_143 = arith.constant 4 : i32
      %add3A_144 = arith.addi %add3A_131, %add3A_143 : i32
      %lt3A_145 = arith.constant 32 : i32
      %lt3A_146 = arith.cmpi slt, %add3A_144, %lt3A_145 : i32
      %convert_element_type3A_147 = arith.extui %lt3A_146 : i1 to i32
      %cond3A_148 = arith.constant 0 : i32
      %cond3A_149 = arith.cmpi ne, %convert_element_type3A_147, %cond3A_148 : i32
      scf.if %cond3A_149 {
        %mul3A_150 = arith.constant 16384 : i32
        %mul3A_151 = arith.muli %add3A_144, %mul3A_150 : i32
        %add3A_152 = arith.addi %mul3A_2, %mul3A_151 : i32
        %dma_start3A_153 = tpu.memref_slice %arg2[%add3A_152] : memref<16777216xf32, #tpu.memory_space<hbm>> -> memref<16384xf32, #tpu.memory_space<hbm>>
        %dma_start3A_154 = tpu.memref_slice %arg2[%add3A_152] : memref<16777216xf32, #tpu.memory_space<hbm>> -> memref<16384xf32, #tpu.memory_space<hbm>>
        tpu.enqueue_dma source(%dma_start3A_154 : memref<16384xf32, #tpu.memory_space<hbm>>) target(%arg8 : memref<16384xf32, #tpu.memory_space<vmem>>) target_semaphore(%arg14 : memref<!tpu.dma_semaphore, #tpu.memory_space<semaphore_mem>>)
      } else {
      }
      scf.yield %scan3A_141#0, %scan3A_141#1, %scan3A_141#2, %scan3A_141#3, %scan3A_141#4, %scan3A_141#5, %scan3A_141#6, %scan3A_141#7, %scan3A_141#8, %scan3A_141#9, %scan3A_141#10, %scan3A_141#11, %scan3A_141#12, %scan3A_141#13, %scan3A_141#14, %scan3A_141#15 : vector<16xf32>, vector<16xf32>, vector<16xf32>, vector<16xf32>, vector<16xf32>, vector<16xf32>, vector<16xf32>, vector<16xf32>, vector<16xf32>, vector<16xf32>, vector<16xf32>, vector<16xf32>, vector<16xf32>, vector<16xf32>, vector<16xf32>, vector<16xf32>
    }
    %scan3A_25 = arith.constant 8 : i32
    %min3A = arith.minimumf %scan3A_24#0, %scan3A_24#2 : vector<16xf32>
    %max3A = arith.maximumf %scan3A_24#1, %scan3A_24#3 : vector<16xf32>
    %min3A_26 = arith.minimumf %min3A, %scan3A_24#4 : vector<16xf32>
    %max3A_27 = arith.maximumf %max3A, %scan3A_24#5 : vector<16xf32>
    %min3A_28 = arith.minimumf %min3A_26, %scan3A_24#6 : vector<16xf32>
    %max3A_29 = arith.maximumf %max3A_27, %scan3A_24#7 : vector<16xf32>
    %min3A_30 = arith.minimumf %min3A_28, %scan3A_24#8 : vector<16xf32>
    %max3A_31 = arith.maximumf %max3A_29, %scan3A_24#9 : vector<16xf32>
    %min3A_32 = arith.minimumf %min3A_30, %scan3A_24#10 : vector<16xf32>
    %max3A_33 = arith.maximumf %max3A_31, %scan3A_24#11 : vector<16xf32>
    %min3A_34 = arith.minimumf %min3A_32, %scan3A_24#12 : vector<16xf32>
    %max3A_35 = arith.maximumf %max3A_33, %scan3A_24#13 : vector<16xf32>
    %min3A_36 = arith.minimumf %min3A_34, %scan3A_24#14 : vector<16xf32>
    %max3A_37 = arith.maximumf %max3A_35, %scan3A_24#15 : vector<16xf32>
    %swap3A = arith.constant 0 : index
    %swap3A_38 = tpu.vector_load %arg9[%swap3A] {strides = array<i32>} : memref<16xf32, #tpu.memory_space<vmem>>, vector<16xf32>,
    %swap3A_39 = vector.shape_cast %swap3A_38 : vector<16xf32> to vector<16xf32>
    %swap3A_40 = vector.shape_cast %min3A_36 : vector<16xf32> to vector<16xf32>
    tpu.vector_store %arg9[%swap3A], %swap3A_40 {strides = array<i32>} : memref<16xf32, #tpu.memory_space<vmem>>, vector<16xf32>,
    %swap3A_41 = arith.constant 0 : index
    %swap3A_42 = tpu.vector_load %arg10[%swap3A_41] {strides = array<i32>} : memref<16xf32, #tpu.memory_space<vmem>>, vector<16xf32>,
    %swap3A_43 = vector.shape_cast %swap3A_42 : vector<16xf32> to vector<16xf32>
    %swap3A_44 = vector.shape_cast %max3A_37 : vector<16xf32> to vector<16xf32>
    tpu.vector_store %arg10[%swap3A_41], %swap3A_44 {strides = array<i32>} : memref<16xf32, #tpu.memory_space<vmem>>, vector<16xf32>,
    %mul3A_45 = arith.constant 16 : i32
    %mul3A_46 = arith.muli %add3A, %mul3A_45 : i32
    "tpu.region"() ({
      %run_scoped3A = tpu.sem_alloc : memref<!tpu.dma_semaphore, #tpu.memory_space<semaphore_mem>>
      %dma_start3A_49 = tpu.memref_slice %arg3[%mul3A_46] : memref<512xf32, #tpu.memory_space<hbm>> -> memref<16xf32, #tpu.memory_space<hbm>>
      %dma_start3A_50 = tpu.memref_slice %arg3[%mul3A_46] : memref<512xf32, #tpu.memory_space<hbm>> -> memref<16xf32, #tpu.memory_space<hbm>>
      tpu.enqueue_dma source(%arg9 : memref<16xf32, #tpu.memory_space<vmem>>) target(%dma_start3A_50 : memref<16xf32, #tpu.memory_space<hbm>>) target_semaphore(%run_scoped3A : memref<!tpu.dma_semaphore, #tpu.memory_space<semaphore_mem>>)
      %dma_wait3A = tpu.memref_slice %arg3[%mul3A_46] : memref<512xf32, #tpu.memory_space<hbm>> -> memref<16xf32, #tpu.memory_space<hbm>>
      %dma_wait3A_51 = tpu.memref_slice %arg3[%mul3A_46] : memref<512xf32, #tpu.memory_space<hbm>> -> memref<16xf32, #tpu.memory_space<hbm>>
      tpu.wait_dma2 semaphore(%run_scoped3A : memref<!tpu.dma_semaphore, #tpu.memory_space<semaphore_mem>>) src(%arg9 : memref<16xf32, #tpu.memory_space<vmem>>) dst(%dma_wait3A_51 : memref<16xf32, #tpu.memory_space<hbm>>)
      tpu.yield
    }) : () -> ()
    %mul3A_47 = arith.constant 16 : i32
    %mul3A_48 = arith.muli %add3A, %mul3A_47 : i32
    "tpu.region"() ({
      %run_scoped3A = tpu.sem_alloc : memref<!tpu.dma_semaphore, #tpu.memory_space<semaphore_mem>>
      %dma_start3A_49 = tpu.memref_slice %arg4[%mul3A_48] : memref<512xf32, #tpu.memory_space<hbm>> -> memref<16xf32, #tpu.memory_space<hbm>>
      %dma_start3A_50 = tpu.memref_slice %arg4[%mul3A_48] : memref<512xf32, #tpu.memory_space<hbm>> -> memref<16xf32, #tpu.memory_space<hbm>>
      tpu.enqueue_dma source(%arg10 : memref<16xf32, #tpu.memory_space<vmem>>) target(%dma_start3A_50 : memref<16xf32, #tpu.memory_space<hbm>>) target_semaphore(%run_scoped3A : memref<!tpu.dma_semaphore, #tpu.memory_space<semaphore_mem>>)
      %dma_wait3A = tpu.memref_slice %arg4[%mul3A_48] : memref<512xf32, #tpu.memory_space<hbm>> -> memref<16xf32, #tpu.memory_space<hbm>>
      %dma_wait3A_51 = tpu.memref_slice %arg4[%mul3A_48] : memref<512xf32, #tpu.memory_space<hbm>> -> memref<16xf32, #tpu.memory_space<hbm>>
      tpu.wait_dma2 semaphore(%run_scoped3A : memref<!tpu.dma_semaphore, #tpu.memory_space<semaphore_mem>>) src(%arg10 : memref<16xf32, #tpu.memory_space<vmem>>) dst(%dma_wait3A_51 : memref<16xf32, #tpu.memory_space<hbm>>)
      tpu.yield
    }) : () -> ()
    return
  }
}

#map = affine_map<(d0, d1) -> (0)>
module attributes {stable_mosaic.version = 14 : i64} {
  func.func @_bucketize_k(%arg0: i32, %arg1: i32, %arg2: memref<16777216xf32, #tpu.memory_space<hbm>>, %arg3: memref<512xf32, #tpu.memory_space<hbm>>, %arg4: memref<512xf32, #tpu.memory_space<hbm>>, %arg5: memref<16777216xi32, #tpu.memory_space<hbm>>, %arg6: memref<512xf32, #tpu.memory_space<vmem>>, %arg7: memref<512xf32, #tpu.memory_space<vmem>>, %arg8: memref<32xf32, #tpu.memory_space<vmem>>, %arg9: memref<32xf32, #tpu.memory_space<vmem>>, %arg10: memref<16384xf32, #tpu.memory_space<vmem>>, %arg11: memref<16384xf32, #tpu.memory_space<vmem>>, %arg12: memref<16384xf32, #tpu.memory_space<vmem>>, %arg13: memref<16384xf32, #tpu.memory_space<vmem>>, %arg14: memref<16384xi32, #tpu.memory_space<vmem>>, %arg15: memref<16384xi32, #tpu.memory_space<vmem>>, %arg16: memref<!tpu.dma_semaphore, #tpu.memory_space<semaphore_mem>>, %arg17: memref<!tpu.dma_semaphore, #tpu.memory_space<semaphore_mem>>, %arg18: memref<!tpu.dma_semaphore, #tpu.memory_space<semaphore_mem>>, %arg19: memref<!tpu.dma_semaphore, #tpu.memory_space<semaphore_mem>>, %arg20: memref<!tpu.dma_semaphore, #tpu.memory_space<semaphore_mem>>, %arg21: memref<!tpu.dma_semaphore, #tpu.memory_space<semaphore_mem>>) attributes {dimension_semantics = [#tpu.dimension_semantics<core_parallel>, #tpu.dimension_semantics<subcore_parallel>], iteration_bounds = array<i64: 2, 16>, scalar_prefetch = 0 : i64, scratch_operands = 16 : i64, tpu.core_type = #tpu.core_type<sc_vector_subcore>, window_params = [{transform_indices = #map}, {transform_indices = #map}, {transform_indices = #map}, {transform_indices = #map}]} {
    %mul3A = arith.constant 2 : i32
    %mul3A_0 = arith.muli %arg1, %mul3A : i32
    %add3A = arith.addi %mul3A_0, %arg0 : i32
    %mul3A_1 = arith.constant 524288 : i32
    %mul3A_2 = arith.muli %add3A, %mul3A_1 : i32
    %add3A_3 = arith.constant 0 : i32
    %add3A_4 = arith.addi %mul3A_2, %add3A_3 : i32
    %dma_start3A = tpu.memref_slice %arg2[%add3A_4] : memref<16777216xf32, #tpu.memory_space<hbm>> -> memref<16384xf32, #tpu.memory_space<hbm>>
    %dma_start3A_5 = tpu.memref_slice %arg2[%add3A_4] : memref<16777216xf32, #tpu.memory_space<hbm>> -> memref<16384xf32, #tpu.memory_space<hbm>>
    tpu.enqueue_dma source(%dma_start3A_5 : memref<16384xf32, #tpu.memory_space<hbm>>) target(%arg10 : memref<16384xf32, #tpu.memory_space<vmem>>) target_semaphore(%arg16 : memref<!tpu.dma_semaphore, #tpu.memory_space<semaphore_mem>>)
    %add3A_6 = arith.constant 16384 : i32
    %add3A_7 = arith.addi %mul3A_2, %add3A_6 : i32
    %dma_start3A_8 = tpu.memref_slice %arg2[%add3A_7] : memref<16777216xf32, #tpu.memory_space<hbm>> -> memref<16384xf32, #tpu.memory_space<hbm>>
    %dma_start3A_9 = tpu.memref_slice %arg2[%add3A_7] : memref<16777216xf32, #tpu.memory_space<hbm>> -> memref<16384xf32, #tpu.memory_space<hbm>>
    tpu.enqueue_dma source(%dma_start3A_9 : memref<16384xf32, #tpu.memory_space<hbm>>) target(%arg11 : memref<16384xf32, #tpu.memory_space<vmem>>) target_semaphore(%arg17 : memref<!tpu.dma_semaphore, #tpu.memory_space<semaphore_mem>>)
    %add3A_10 = arith.constant 32768 : i32
    %add3A_11 = arith.addi %mul3A_2, %add3A_10 : i32
    %dma_start3A_12 = tpu.memref_slice %arg2[%add3A_11] : memref<16777216xf32, #tpu.memory_space<hbm>> -> memref<16384xf32, #tpu.memory_space<hbm>>
    %dma_start3A_13 = tpu.memref_slice %arg2[%add3A_11] : memref<16777216xf32, #tpu.memory_space<hbm>> -> memref<16384xf32, #tpu.memory_space<hbm>>
    tpu.enqueue_dma source(%dma_start3A_13 : memref<16384xf32, #tpu.memory_space<hbm>>) target(%arg12 : memref<16384xf32, #tpu.memory_space<vmem>>) target_semaphore(%arg18 : memref<!tpu.dma_semaphore, #tpu.memory_space<semaphore_mem>>)
    %add3A_14 = arith.constant 49152 : i32
    %add3A_15 = arith.addi %mul3A_2, %add3A_14 : i32
    %dma_start3A_16 = tpu.memref_slice %arg2[%add3A_15] : memref<16777216xf32, #tpu.memory_space<hbm>> -> memref<16384xf32, #tpu.memory_space<hbm>>
    %dma_start3A_17 = tpu.memref_slice %arg2[%add3A_15] : memref<16777216xf32, #tpu.memory_space<hbm>> -> memref<16384xf32, #tpu.memory_space<hbm>>
    tpu.enqueue_dma source(%dma_start3A_17 : memref<16384xf32, #tpu.memory_space<hbm>>) target(%arg13 : memref<16384xf32, #tpu.memory_space<vmem>>) target_semaphore(%arg19 : memref<!tpu.dma_semaphore, #tpu.memory_space<semaphore_mem>>)
    "tpu.region"() ({
      %run_scoped3A = tpu.sem_alloc : memref<!tpu.dma_semaphore, #tpu.memory_space<semaphore_mem>>
      tpu.enqueue_dma source(%arg3 : memref<512xf32, #tpu.memory_space<hbm>>) target(%arg6 : memref<512xf32, #tpu.memory_space<vmem>>) target_semaphore(%run_scoped3A : memref<!tpu.dma_semaphore, #tpu.memory_space<semaphore_mem>>)
      tpu.wait_dma2 semaphore(%run_scoped3A : memref<!tpu.dma_semaphore, #tpu.memory_space<semaphore_mem>>) src(%arg3 : memref<512xf32, #tpu.memory_space<hbm>>) dst(%arg6 : memref<512xf32, #tpu.memory_space<vmem>>)
      tpu.yield
    }) : () -> ()
    "tpu.region"() ({
      %run_scoped3A = tpu.sem_alloc : memref<!tpu.dma_semaphore, #tpu.memory_space<semaphore_mem>>
      tpu.enqueue_dma source(%arg4 : memref<512xf32, #tpu.memory_space<hbm>>) target(%arg7 : memref<512xf32, #tpu.memory_space<vmem>>) target_semaphore(%run_scoped3A : memref<!tpu.dma_semaphore, #tpu.memory_space<semaphore_mem>>)
      tpu.wait_dma2 semaphore(%run_scoped3A : memref<!tpu.dma_semaphore, #tpu.memory_space<semaphore_mem>>) src(%arg4 : memref<512xf32, #tpu.memory_space<hbm>>) dst(%arg7 : memref<512xf32, #tpu.memory_space<vmem>>)
      tpu.yield
    }) : () -> ()
    %get3A = arith.constant 0 : index
    %get3A_18 = tpu.vector_load %arg6[%get3A] {strides = array<i32>} : memref<512xf32, #tpu.memory_space<vmem>>, vector<16xf32>,
    %get3A_19 = vector.shape_cast %get3A_18 : vector<16xf32> to vector<16xf32>
    %get3A_20 = arith.constant 0 : index
    %get3A_21 = tpu.vector_load %arg7[%get3A_20] {strides = array<i32>} : memref<512xf32, #tpu.memory_space<vmem>>, vector<16xf32>,
    %get3A_22 = vector.shape_cast %get3A_21 : vector<16xf32> to vector<16xf32>
    %get3A_23 = arith.constant 16 : index
    %get3A_24 = tpu.vector_load %arg6[%get3A_23] {strides = array<i32>} : memref<512xf32, #tpu.memory_space<vmem>>, vector<16xf32>,
    %get3A_25 = vector.shape_cast %get3A_24 : vector<16xf32> to vector<16xf32>
    %min3A = arith.minimumf %get3A_19, %get3A_25 : vector<16xf32>
    %get3A_26 = arith.constant 16 : index
    %get3A_27 = tpu.vector_load %arg7[%get3A_26] {strides = array<i32>} : memref<512xf32, #tpu.memory_space<vmem>>, vector<16xf32>,
    %get3A_28 = vector.shape_cast %get3A_27 : vector<16xf32> to vector<16xf32>
    %max3A = arith.maximumf %get3A_22, %get3A_28 : vector<16xf32>
    %get3A_29 = arith.constant 32 : index
    %get3A_30 = tpu.vector_load %arg6[%get3A_29] {strides = array<i32>} : memref<512xf32, #tpu.memory_space<vmem>>, vector<16xf32>,
    %get3A_31 = vector.shape_cast %get3A_30 : vector<16xf32> to vector<16xf32>
    %min3A_32 = arith.minimumf %min3A, %get3A_31 : vector<16xf32>
    %get3A_33 = arith.constant 32 : index
    %get3A_34 = tpu.vector_load %arg7[%get3A_33] {strides = array<i32>} : memref<512xf32, #tpu.memory_space<vmem>>, vector<16xf32>,
    %get3A_35 = vector.shape_cast %get3A_34 : vector<16xf32> to vector<16xf32>
    %max3A_36 = arith.maximumf %max3A, %get3A_35 : vector<16xf32>
    %get3A_37 = arith.constant 48 : index
    %get3A_38 = tpu.vector_load %arg6[%get3A_37] {strides = array<i32>} : memref<512xf32, #tpu.memory_space<vmem>>, vector<16xf32>,
    %get3A_39 = vector.shape_cast %get3A_38 : vector<16xf32> to vector<16xf32>
    %min3A_40 = arith.minimumf %min3A_32, %get3A_39 : vector<16xf32>
    %get3A_41 = arith.constant 48 : index
    %get3A_42 = tpu.vector_load %arg7[%get3A_41] {strides = array<i32>} : memref<512xf32, #tpu.memory_space<vmem>>, vector<16xf32>,
    %get3A_43 = vector.shape_cast %get3A_42 : vector<16xf32> to vector<16xf32>
    %max3A_44 = arith.maximumf %max3A_36, %get3A_43 : vector<16xf32>
    %get3A_45 = arith.constant 64 : index
    %get3A_46 = tpu.vector_load %arg6[%get3A_45] {strides = array<i32>} : memref<512xf32, #tpu.memory_space<vmem>>, vector<16xf32>,
    %get3A_47 = vector.shape_cast %get3A_46 : vector<16xf32> to vector<16xf32>
    %min3A_48 = arith.minimumf %min3A_40, %get3A_47 : vector<16xf32>
    %get3A_49 = arith.constant 64 : index
    %get3A_50 = tpu.vector_load %arg7[%get3A_49] {strides = array<i32>} : memref<512xf32, #tpu.memory_space<vmem>>, vector<16xf32>,
    %get3A_51 = vector.shape_cast %get3A_50 : vector<16xf32> to vector<16xf32>
    %max3A_52 = arith.maximumf %max3A_44, %get3A_51 : vector<16xf32>
    %get3A_53 = arith.constant 80 : index
    %get3A_54 = tpu.vector_load %arg6[%get3A_53] {strides = array<i32>} : memref<512xf32, #tpu.memory_space<vmem>>, vector<16xf32>,
    %get3A_55 = vector.shape_cast %get3A_54 : vector<16xf32> to vector<16xf32>
    %min3A_56 = arith.minimumf %min3A_48, %get3A_55 : vector<16xf32>
    %get3A_57 = arith.constant 80 : index
    %get3A_58 = tpu.vector_load %arg7[%get3A_57] {strides = array<i32>} : memref<512xf32, #tpu.memory_space<vmem>>, vector<16xf32>,
    %get3A_59 = vector.shape_cast %get3A_58 : vector<16xf32> to vector<16xf32>
    %max3A_60 = arith.maximumf %max3A_52, %get3A_59 : vector<16xf32>
    %get3A_61 = arith.constant 96 : index
    %get3A_62 = tpu.vector_load %arg6[%get3A_61] {strides = array<i32>} : memref<512xf32, #tpu.memory_space<vmem>>, vector<16xf32>,
    %get3A_63 = vector.shape_cast %get3A_62 : vector<16xf32> to vector<16xf32>
    %min3A_64 = arith.minimumf %min3A_56, %get3A_63 : vector<16xf32>
    %get3A_65 = arith.constant 96 : index
    %get3A_66 = tpu.vector_load %arg7[%get3A_65] {strides = array<i32>} : memref<512xf32, #tpu.memory_space<vmem>>, vector<16xf32>,
    %get3A_67 = vector.shape_cast %get3A_66 : vector<16xf32> to vector<16xf32>
    %max3A_68 = arith.maximumf %max3A_60, %get3A_67 : vector<16xf32>
    %get3A_69 = arith.constant 112 : index
    %get3A_70 = tpu.vector_load %arg6[%get3A_69] {strides = array<i32>} : memref<512xf32, #tpu.memory_space<vmem>>, vector<16xf32>,
    %get3A_71 = vector.shape_cast %get3A_70 : vector<16xf32> to vector<16xf32>
    %min3A_72 = arith.minimumf %min3A_64, %get3A_71 : vector<16xf32>
    %get3A_73 = arith.constant 112 : index
    %get3A_74 = tpu.vector_load %arg7[%get3A_73] {strides = array<i32>} : memref<512xf32, #tpu.memory_space<vmem>>, vector<16xf32>,
    %get3A_75 = vector.shape_cast %get3A_74 : vector<16xf32> to vector<16xf32>
    %max3A_76 = arith.maximumf %max3A_68, %get3A_75 : vector<16xf32>
    %get3A_77 = arith.constant 128 : index
    %get3A_78 = tpu.vector_load %arg6[%get3A_77] {strides = array<i32>} : memref<512xf32, #tpu.memory_space<vmem>>, vector<16xf32>,
    %get3A_79 = vector.shape_cast %get3A_78 : vector<16xf32> to vector<16xf32>
    %min3A_80 = arith.minimumf %min3A_72, %get3A_79 : vector<16xf32>
    %get3A_81 = arith.constant 128 : index
    %get3A_82 = tpu.vector_load %arg7[%get3A_81] {strides = array<i32>} : memref<512xf32, #tpu.memory_space<vmem>>, vector<16xf32>,
    %get3A_83 = vector.shape_cast %get3A_82 : vector<16xf32> to vector<16xf32>
    %max3A_84 = arith.maximumf %max3A_76, %get3A_83 : vector<16xf32>
    %get3A_85 = arith.constant 144 : index
    %get3A_86 = tpu.vector_load %arg6[%get3A_85] {strides = array<i32>} : memref<512xf32, #tpu.memory_space<vmem>>, vector<16xf32>,
    %get3A_87 = vector.shape_cast %get3A_86 : vector<16xf32> to vector<16xf32>
    %min3A_88 = arith.minimumf %min3A_80, %get3A_87 : vector<16xf32>
    %get3A_89 = arith.constant 144 : index
    %get3A_90 = tpu.vector_load %arg7[%get3A_89] {strides = array<i32>} : memref<512xf32, #tpu.memory_space<vmem>>, vector<16xf32>,
    %get3A_91 = vector.shape_cast %get3A_90 : vector<16xf32> to vector<16xf32>
    %max3A_92 = arith.maximumf %max3A_84, %get3A_91 : vector<16xf32>
    %get3A_93 = arith.constant 160 : index
    %get3A_94 = tpu.vector_load %arg6[%get3A_93] {strides = array<i32>} : memref<512xf32, #tpu.memory_space<vmem>>, vector<16xf32>,
    %get3A_95 = vector.shape_cast %get3A_94 : vector<16xf32> to vector<16xf32>
    %min3A_96 = arith.minimumf %min3A_88, %get3A_95 : vector<16xf32>
    %get3A_97 = arith.constant 160 : index
    %get3A_98 = tpu.vector_load %arg7[%get3A_97] {strides = array<i32>} : memref<512xf32, #tpu.memory_space<vmem>>, vector<16xf32>,
    %get3A_99 = vector.shape_cast %get3A_98 : vector<16xf32> to vector<16xf32>
    %max3A_100 = arith.maximumf %max3A_92, %get3A_99 : vector<16xf32>
    %get3A_101 = arith.constant 176 : index
    %get3A_102 = tpu.vector_load %arg6[%get3A_101] {strides = array<i32>} : memref<512xf32, #tpu.memory_space<vmem>>, vector<16xf32>,
    %get3A_103 = vector.shape_cast %get3A_102 : vector<16xf32> to vector<16xf32>
    %min3A_104 = arith.minimumf %min3A_96, %get3A_103 : vector<16xf32>
    %get3A_105 = arith.constant 176 : index
    %get3A_106 = tpu.vector_load %arg7[%get3A_105] {strides = array<i32>} : memref<512xf32, #tpu.memory_space<vmem>>, vector<16xf32>,
    %get3A_107 = vector.shape_cast %get3A_106 : vector<16xf32> to vector<16xf32>
    %max3A_108 = arith.maximumf %max3A_100, %get3A_107 : vector<16xf32>
    %get3A_109 = arith.constant 192 : index
    %get3A_110 = tpu.vector_load %arg6[%get3A_109] {strides = array<i32>} : memref<512xf32, #tpu.memory_space<vmem>>, vector<16xf32>,
    %get3A_111 = vector.shape_cast %get3A_110 : vector<16xf32> to vector<16xf32>
    %min3A_112 = arith.minimumf %min3A_104, %get3A_111 : vector<16xf32>
    %get3A_113 = arith.constant 192 : index
    %get3A_114 = tpu.vector_load %arg7[%get3A_113] {strides = array<i32>} : memref<512xf32, #tpu.memory_space<vmem>>, vector<16xf32>,
    %get3A_115 = vector.shape_cast %get3A_114 : vector<16xf32> to vector<16xf32>
    %max3A_116 = arith.maximumf %max3A_108, %get3A_115 : vector<16xf32>
    %get3A_117 = arith.constant 208 : index
    %get3A_118 = tpu.vector_load %arg6[%get3A_117] {strides = array<i32>} : memref<512xf32, #tpu.memory_space<vmem>>, vector<16xf32>,
    %get3A_119 = vector.shape_cast %get3A_118 : vector<16xf32> to vector<16xf32>
    %min3A_120 = arith.minimumf %min3A_112, %get3A_119 : vector<16xf32>
    %get3A_121 = arith.constant 208 : index
    %get3A_122 = tpu.vector_load %arg7[%get3A_121] {strides = array<i32>} : memref<512xf32, #tpu.memory_space<vmem>>, vector<16xf32>,
    %get3A_123 = vector.shape_cast %get3A_122 : vector<16xf32> to vector<16xf32>
    %max3A_124 = arith.maximumf %max3A_116, %get3A_123 : vector<16xf32>
    %get3A_125 = arith.constant 224 : index
    %get3A_126 = tpu.vector_load %arg6[%get3A_125] {strides = array<i32>} : memref<512xf32, #tpu.memory_space<vmem>>, vector<16xf32>,
    %get3A_127 = vector.shape_cast %get3A_126 : vector<16xf32> to vector<16xf32>
    %min3A_128 = arith.minimumf %min3A_120, %get3A_127 : vector<16xf32>
    %get3A_129 = arith.constant 224 : index
    %get3A_130 = tpu.vector_load %arg7[%get3A_129] {strides = array<i32>} : memref<512xf32, #tpu.memory_space<vmem>>, vector<16xf32>,
    %get3A_131 = vector.shape_cast %get3A_130 : vector<16xf32> to vector<16xf32>
    %max3A_132 = arith.maximumf %max3A_124, %get3A_131 : vector<16xf32>
    %get3A_133 = arith.constant 240 : index
    %get3A_134 = tpu.vector_load %arg6[%get3A_133] {strides = array<i32>} : memref<512xf32, #tpu.memory_space<vmem>>, vector<16xf32>,
    %get3A_135 = vector.shape_cast %get3A_134 : vector<16xf32> to vector<16xf32>
    %min3A_136 = arith.minimumf %min3A_128, %get3A_135 : vector<16xf32>
    %get3A_137 = arith.constant 240 : index
    %get3A_138 = tpu.vector_load %arg7[%get3A_137] {strides = array<i32>} : memref<512xf32, #tpu.memory_space<vmem>>, vector<16xf32>,
    %get3A_139 = vector.shape_cast %get3A_138 : vector<16xf32> to vector<16xf32>
    %max3A_140 = arith.maximumf %max3A_132, %get3A_139 : vector<16xf32>
    %get3A_141 = arith.constant 256 : index
    %get3A_142 = tpu.vector_load %arg6[%get3A_141] {strides = array<i32>} : memref<512xf32, #tpu.memory_space<vmem>>, vector<16xf32>,
    %get3A_143 = vector.shape_cast %get3A_142 : vector<16xf32> to vector<16xf32>
    %min3A_144 = arith.minimumf %min3A_136, %get3A_143 : vector<16xf32>
    %get3A_145 = arith.constant 256 : index
    %get3A_146 = tpu.vector_load %arg7[%get3A_145] {strides = array<i32>} : memref<512xf32, #tpu.memory_space<vmem>>, vector<16xf32>,
    %get3A_147 = vector.shape_cast %get3A_146 : vector<16xf32> to vector<16xf32>
    %max3A_148 = arith.maximumf %max3A_140, %get3A_147 : vector<16xf32>
    %get3A_149 = arith.constant 272 : index
    %get3A_150 = tpu.vector_load %arg6[%get3A_149] {strides = array<i32>} : memref<512xf32, #tpu.memory_space<vmem>>, vector<16xf32>,
    %get3A_151 = vector.shape_cast %get3A_150 : vector<16xf32> to vector<16xf32>
    %min3A_152 = arith.minimumf %min3A_144, %get3A_151 : vector<16xf32>
    %get3A_153 = arith.constant 272 : index
    %get3A_154 = tpu.vector_load %arg7[%get3A_153] {strides = array<i32>} : memref<512xf32, #tpu.memory_space<vmem>>, vector<16xf32>,
    %get3A_155 = vector.shape_cast %get3A_154 : vector<16xf32> to vector<16xf32>
    %max3A_156 = arith.maximumf %max3A_148, %get3A_155 : vector<16xf32>
    %get3A_157 = arith.constant 288 : index
    %get3A_158 = tpu.vector_load %arg6[%get3A_157] {strides = array<i32>} : memref<512xf32, #tpu.memory_space<vmem>>, vector<16xf32>,
    %get3A_159 = vector.shape_cast %get3A_158 : vector<16xf32> to vector<16xf32>
    %min3A_160 = arith.minimumf %min3A_152, %get3A_159 : vector<16xf32>
    %get3A_161 = arith.constant 288 : index
    %get3A_162 = tpu.vector_load %arg7[%get3A_161] {strides = array<i32>} : memref<512xf32, #tpu.memory_space<vmem>>, vector<16xf32>,
    %get3A_163 = vector.shape_cast %get3A_162 : vector<16xf32> to vector<16xf32>
    %max3A_164 = arith.maximumf %max3A_156, %get3A_163 : vector<16xf32>
    %get3A_165 = arith.constant 304 : index
    %get3A_166 = tpu.vector_load %arg6[%get3A_165] {strides = array<i32>} : memref<512xf32, #tpu.memory_space<vmem>>, vector<16xf32>,
    %get3A_167 = vector.shape_cast %get3A_166 : vector<16xf32> to vector<16xf32>
    %min3A_168 = arith.minimumf %min3A_160, %get3A_167 : vector<16xf32>
    %get3A_169 = arith.constant 304 : index
    %get3A_170 = tpu.vector_load %arg7[%get3A_169] {strides = array<i32>} : memref<512xf32, #tpu.memory_space<vmem>>, vector<16xf32>,
    %get3A_171 = vector.shape_cast %get3A_170 : vector<16xf32> to vector<16xf32>
    %max3A_172 = arith.maximumf %max3A_164, %get3A_171 : vector<16xf32>
    %get3A_173 = arith.constant 320 : index
    %get3A_174 = tpu.vector_load %arg6[%get3A_173] {strides = array<i32>} : memref<512xf32, #tpu.memory_space<vmem>>, vector<16xf32>,
    %get3A_175 = vector.shape_cast %get3A_174 : vector<16xf32> to vector<16xf32>
    %min3A_176 = arith.minimumf %min3A_168, %get3A_175 : vector<16xf32>
    %get3A_177 = arith.constant 320 : index
    %get3A_178 = tpu.vector_load %arg7[%get3A_177] {strides = array<i32>} : memref<512xf32, #tpu.memory_space<vmem>>, vector<16xf32>,
    %get3A_179 = vector.shape_cast %get3A_178 : vector<16xf32> to vector<16xf32>
    %max3A_180 = arith.maximumf %max3A_172, %get3A_179 : vector<16xf32>
    %get3A_181 = arith.constant 336 : index
    %get3A_182 = tpu.vector_load %arg6[%get3A_181] {strides = array<i32>} : memref<512xf32, #tpu.memory_space<vmem>>, vector<16xf32>,
    %get3A_183 = vector.shape_cast %get3A_182 : vector<16xf32> to vector<16xf32>
    %min3A_184 = arith.minimumf %min3A_176, %get3A_183 : vector<16xf32>
    %get3A_185 = arith.constant 336 : index
    %get3A_186 = tpu.vector_load %arg7[%get3A_185] {strides = array<i32>} : memref<512xf32, #tpu.memory_space<vmem>>, vector<16xf32>,
    %get3A_187 = vector.shape_cast %get3A_186 : vector<16xf32> to vector<16xf32>
    %max3A_188 = arith.maximumf %max3A_180, %get3A_187 : vector<16xf32>
    %get3A_189 = arith.constant 352 : index
    %get3A_190 = tpu.vector_load %arg6[%get3A_189] {strides = array<i32>} : memref<512xf32, #tpu.memory_space<vmem>>, vector<16xf32>,
    %get3A_191 = vector.shape_cast %get3A_190 : vector<16xf32> to vector<16xf32>
    %min3A_192 = arith.minimumf %min3A_184, %get3A_191 : vector<16xf32>
    %get3A_193 = arith.constant 352 : index
    %get3A_194 = tpu.vector_load %arg7[%get3A_193] {strides = array<i32>} : memref<512xf32, #tpu.memory_space<vmem>>, vector<16xf32>,
    %get3A_195 = vector.shape_cast %get3A_194 : vector<16xf32> to vector<16xf32>
    %max3A_196 = arith.maximumf %max3A_188, %get3A_195 : vector<16xf32>
    %get3A_197 = arith.constant 368 : index
    %get3A_198 = tpu.vector_load %arg6[%get3A_197] {strides = array<i32>} : memref<512xf32, #tpu.memory_space<vmem>>, vector<16xf32>,
    %get3A_199 = vector.shape_cast %get3A_198 : vector<16xf32> to vector<16xf32>
    %min3A_200 = arith.minimumf %min3A_192, %get3A_199 : vector<16xf32>
    %get3A_201 = arith.constant 368 : index
    %get3A_202 = tpu.vector_load %arg7[%get3A_201] {strides = array<i32>} : memref<512xf32, #tpu.memory_space<vmem>>, vector<16xf32>,
    %get3A_203 = vector.shape_cast %get3A_202 : vector<16xf32> to vector<16xf32>
    %max3A_204 = arith.maximumf %max3A_196, %get3A_203 : vector<16xf32>
    %get3A_205 = arith.constant 384 : index
    %get3A_206 = tpu.vector_load %arg6[%get3A_205] {strides = array<i32>} : memref<512xf32, #tpu.memory_space<vmem>>, vector<16xf32>,
    %get3A_207 = vector.shape_cast %get3A_206 : vector<16xf32> to vector<16xf32>
    %min3A_208 = arith.minimumf %min3A_200, %get3A_207 : vector<16xf32>
    %get3A_209 = arith.constant 384 : index
    %get3A_210 = tpu.vector_load %arg7[%get3A_209] {strides = array<i32>} : memref<512xf32, #tpu.memory_space<vmem>>, vector<16xf32>,
    %get3A_211 = vector.shape_cast %get3A_210 : vector<16xf32> to vector<16xf32>
    %max3A_212 = arith.maximumf %max3A_204, %get3A_211 : vector<16xf32>
    %get3A_213 = arith.constant 400 : index
    %get3A_214 = tpu.vector_load %arg6[%get3A_213] {strides = array<i32>} : memref<512xf32, #tpu.memory_space<vmem>>, vector<16xf32>,
    %get3A_215 = vector.shape_cast %get3A_214 : vector<16xf32> to vector<16xf32>
    %min3A_216 = arith.minimumf %min3A_208, %get3A_215 : vector<16xf32>
    %get3A_217 = arith.constant 400 : index
    %get3A_218 = tpu.vector_load %arg7[%get3A_217] {strides = array<i32>} : memref<512xf32, #tpu.memory_space<vmem>>, vector<16xf32>,
    %get3A_219 = vector.shape_cast %get3A_218 : vector<16xf32> to vector<16xf32>
    %max3A_220 = arith.maximumf %max3A_212, %get3A_219 : vector<16xf32>
    %get3A_221 = arith.constant 416 : index
    %get3A_222 = tpu.vector_load %arg6[%get3A_221] {strides = array<i32>} : memref<512xf32, #tpu.memory_space<vmem>>, vector<16xf32>,
    %get3A_223 = vector.shape_cast %get3A_222 : vector<16xf32> to vector<16xf32>
    %min3A_224 = arith.minimumf %min3A_216, %get3A_223 : vector<16xf32>
    %get3A_225 = arith.constant 416 : index
    %get3A_226 = tpu.vector_load %arg7[%get3A_225] {strides = array<i32>} : memref<512xf32, #tpu.memory_space<vmem>>, vector<16xf32>,
    %get3A_227 = vector.shape_cast %get3A_226 : vector<16xf32> to vector<16xf32>
    %max3A_228 = arith.maximumf %max3A_220, %get3A_227 : vector<16xf32>
    %get3A_229 = arith.constant 432 : index
    %get3A_230 = tpu.vector_load %arg6[%get3A_229] {strides = array<i32>} : memref<512xf32, #tpu.memory_space<vmem>>, vector<16xf32>,
    %get3A_231 = vector.shape_cast %get3A_230 : vector<16xf32> to vector<16xf32>
    %min3A_232 = arith.minimumf %min3A_224, %get3A_231 : vector<16xf32>
    %get3A_233 = arith.constant 432 : index
    %get3A_234 = tpu.vector_load %arg7[%get3A_233] {strides = array<i32>} : memref<512xf32, #tpu.memory_space<vmem>>, vector<16xf32>,
    %get3A_235 = vector.shape_cast %get3A_234 : vector<16xf32> to vector<16xf32>
    %max3A_236 = arith.maximumf %max3A_228, %get3A_235 : vector<16xf32>
    %get3A_237 = arith.constant 448 : index
    %get3A_238 = tpu.vector_load %arg6[%get3A_237] {strides = array<i32>} : memref<512xf32, #tpu.memory_space<vmem>>, vector<16xf32>,
    %get3A_239 = vector.shape_cast %get3A_238 : vector<16xf32> to vector<16xf32>
    %min3A_240 = arith.minimumf %min3A_232, %get3A_239 : vector<16xf32>
    %get3A_241 = arith.constant 448 : index
    %get3A_242 = tpu.vector_load %arg7[%get3A_241] {strides = array<i32>} : memref<512xf32, #tpu.memory_space<vmem>>, vector<16xf32>,
    %get3A_243 = vector.shape_cast %get3A_242 : vector<16xf32> to vector<16xf32>
    %max3A_244 = arith.maximumf %max3A_236, %get3A_243 : vector<16xf32>
    %get3A_245 = arith.constant 464 : index
    %get3A_246 = tpu.vector_load %arg6[%get3A_245] {strides = array<i32>} : memref<512xf32, #tpu.memory_space<vmem>>, vector<16xf32>,
    %get3A_247 = vector.shape_cast %get3A_246 : vector<16xf32> to vector<16xf32>
    %min3A_248 = arith.minimumf %min3A_240, %get3A_247 : vector<16xf32>
    %get3A_249 = arith.constant 464 : index
    %get3A_250 = tpu.vector_load %arg7[%get3A_249] {strides = array<i32>} : memref<512xf32, #tpu.memory_space<vmem>>, vector<16xf32>,
    %get3A_251 = vector.shape_cast %get3A_250 : vector<16xf32> to vector<16xf32>
    %max3A_252 = arith.maximumf %max3A_244, %get3A_251 : vector<16xf32>
    %get3A_253 = arith.constant 480 : index
    %get3A_254 = tpu.vector_load %arg6[%get3A_253] {strides = array<i32>} : memref<512xf32, #tpu.memory_space<vmem>>, vector<16xf32>,
    %get3A_255 = vector.shape_cast %get3A_254 : vector<16xf32> to vector<16xf32>
    %min3A_256 = arith.minimumf %min3A_248, %get3A_255 : vector<16xf32>
    %get3A_257 = arith.constant 480 : index
    %get3A_258 = tpu.vector_load %arg7[%get3A_257] {strides = array<i32>} : memref<512xf32, #tpu.memory_space<vmem>>, vector<16xf32>,
    %get3A_259 = vector.shape_cast %get3A_258 : vector<16xf32> to vector<16xf32>
    %max3A_260 = arith.maximumf %max3A_252, %get3A_259 : vector<16xf32>
    %get3A_261 = arith.constant 496 : index
    %get3A_262 = tpu.vector_load %arg6[%get3A_261] {strides = array<i32>} : memref<512xf32, #tpu.memory_space<vmem>>, vector<16xf32>,
    %get3A_263 = vector.shape_cast %get3A_262 : vector<16xf32> to vector<16xf32>
    %min3A_264 = arith.minimumf %min3A_256, %get3A_263 : vector<16xf32>
    %get3A_265 = arith.constant 496 : index
    %get3A_266 = tpu.vector_load %arg7[%get3A_265] {strides = array<i32>} : memref<512xf32, #tpu.memory_space<vmem>>, vector<16xf32>,
    %get3A_267 = vector.shape_cast %get3A_266 : vector<16xf32> to vector<16xf32>
    %max3A_268 = arith.maximumf %max3A_260, %get3A_267 : vector<16xf32>
    %swap3A = arith.constant 0 : index
    %swap3A_269 = tpu.vector_load %arg8[%swap3A] {strides = array<i32>} : memref<32xf32, #tpu.memory_space<vmem>>, vector<16xf32>,
    %swap3A_270 = vector.shape_cast %swap3A_269 : vector<16xf32> to vector<16xf32>
    %swap3A_271 = vector.shape_cast %min3A_264 : vector<16xf32> to vector<16xf32>
    tpu.vector_store %arg8[%swap3A], %swap3A_271 {strides = array<i32>} : memref<32xf32, #tpu.memory_space<vmem>>, vector<16xf32>,
    %swap3A_272 = arith.constant 16 : index
    %swap3A_273 = tpu.vector_load %arg8[%swap3A_272] {strides = array<i32>} : memref<32xf32, #tpu.memory_space<vmem>>, vector<16xf32>,
    %swap3A_274 = vector.shape_cast %swap3A_273 : vector<16xf32> to vector<16xf32>
    %swap3A_275 = vector.shape_cast %min3A_264 : vector<16xf32> to vector<16xf32>
    tpu.vector_store %arg8[%swap3A_272], %swap3A_275 {strides = array<i32>} : memref<32xf32, #tpu.memory_space<vmem>>, vector<16xf32>,
    %swap3A_276 = arith.constant 0 : index
    %swap3A_277 = tpu.vector_load %arg9[%swap3A_276] {strides = array<i32>} : memref<32xf32, #tpu.memory_space<vmem>>, vector<16xf32>,
    %swap3A_278 = vector.shape_cast %swap3A_277 : vector<16xf32> to vector<16xf32>
    %swap3A_279 = vector.shape_cast %max3A_268 : vector<16xf32> to vector<16xf32>
    tpu.vector_store %arg9[%swap3A_276], %swap3A_279 {strides = array<i32>} : memref<32xf32, #tpu.memory_space<vmem>>, vector<16xf32>,
    %swap3A_280 = arith.constant 16 : index
    %swap3A_281 = tpu.vector_load %arg9[%swap3A_280] {strides = array<i32>} : memref<32xf32, #tpu.memory_space<vmem>>, vector<16xf32>,
    %swap3A_282 = vector.shape_cast %swap3A_281 : vector<16xf32> to vector<16xf32>
    %swap3A_283 = vector.shape_cast %max3A_268 : vector<16xf32> to vector<16xf32>
    tpu.vector_store %arg9[%swap3A_280], %swap3A_283 {strides = array<i32>} : memref<32xf32, #tpu.memory_space<vmem>>, vector<16xf32>,
    %get3A_284 = arith.constant 1 : index
    %get3A_285 = tpu.vector_load %arg8[%get3A_284] {strides = array<i32>} : memref<32xf32, #tpu.memory_space<vmem>>, vector<16xf32>,
    %get3A_286 = vector.shape_cast %get3A_285 : vector<16xf32> to vector<16xf32>
    %min3A_287 = arith.minimumf %min3A_264, %get3A_286 : vector<16xf32>
    %get3A_288 = arith.constant 1 : index
    %get3A_289 = tpu.vector_load %arg9[%get3A_288] {strides = array<i32>} : memref<32xf32, #tpu.memory_space<vmem>>, vector<16xf32>,
    %get3A_290 = vector.shape_cast %get3A_289 : vector<16xf32> to vector<16xf32>
    %max3A_291 = arith.maximumf %max3A_268, %get3A_290 : vector<16xf32>
    %get3A_292 = arith.constant 2 : index
    %get3A_293 = tpu.vector_load %arg8[%get3A_292] {strides = array<i32>} : memref<32xf32, #tpu.memory_space<vmem>>, vector<16xf32>,
    %get3A_294 = vector.shape_cast %get3A_293 : vector<16xf32> to vector<16xf32>
    %min3A_295 = arith.minimumf %min3A_287, %get3A_294 : vector<16xf32>
    %get3A_296 = arith.constant 2 : index
    %get3A_297 = tpu.vector_load %arg9[%get3A_296] {strides = array<i32>} : memref<32xf32, #tpu.memory_space<vmem>>, vector<16xf32>,
    %get3A_298 = vector.shape_cast %get3A_297 : vector<16xf32> to vector<16xf32>
    %max3A_299 = arith.maximumf %max3A_291, %get3A_298 : vector<16xf32>
    %get3A_300 = arith.constant 3 : index
    %get3A_301 = tpu.vector_load %arg8[%get3A_300] {strides = array<i32>} : memref<32xf32, #tpu.memory_space<vmem>>, vector<16xf32>,
    %get3A_302 = vector.shape_cast %get3A_301 : vector<16xf32> to vector<16xf32>
    %min3A_303 = arith.minimumf %min3A_295, %get3A_302 : vector<16xf32>
    %get3A_304 = arith.constant 3 : index
    %get3A_305 = tpu.vector_load %arg9[%get3A_304] {strides = array<i32>} : memref<32xf32, #tpu.memory_space<vmem>>, vector<16xf32>,
    %get3A_306 = vector.shape_cast %get3A_305 : vector<16xf32> to vector<16xf32>
    %max3A_307 = arith.maximumf %max3A_299, %get3A_306 : vector<16xf32>
    %get3A_308 = arith.constant 4 : index
    %get3A_309 = tpu.vector_load %arg8[%get3A_308] {strides = array<i32>} : memref<32xf32, #tpu.memory_space<vmem>>, vector<16xf32>,
    %get3A_310 = vector.shape_cast %get3A_309 : vector<16xf32> to vector<16xf32>
    %min3A_311 = arith.minimumf %min3A_303, %get3A_310 : vector<16xf32>
    %get3A_312 = arith.constant 4 : index
    %get3A_313 = tpu.vector_load %arg9[%get3A_312] {strides = array<i32>} : memref<32xf32, #tpu.memory_space<vmem>>, vector<16xf32>,
    %get3A_314 = vector.shape_cast %get3A_313 : vector<16xf32> to vector<16xf32>
    %max3A_315 = arith.maximumf %max3A_307, %get3A_314 : vector<16xf32>
    %get3A_316 = arith.constant 5 : index
    %get3A_317 = tpu.vector_load %arg8[%get3A_316] {strides = array<i32>} : memref<32xf32, #tpu.memory_space<vmem>>, vector<16xf32>,
    %get3A_318 = vector.shape_cast %get3A_317 : vector<16xf32> to vector<16xf32>
    %min3A_319 = arith.minimumf %min3A_311, %get3A_318 : vector<16xf32>
    %get3A_320 = arith.constant 5 : index
    %get3A_321 = tpu.vector_load %arg9[%get3A_320] {strides = array<i32>} : memref<32xf32, #tpu.memory_space<vmem>>, vector<16xf32>,
    %get3A_322 = vector.shape_cast %get3A_321 : vector<16xf32> to vector<16xf32>
    %max3A_323 = arith.maximumf %max3A_315, %get3A_322 : vector<16xf32>
    %get3A_324 = arith.constant 6 : index
    %get3A_325 = tpu.vector_load %arg8[%get3A_324] {strides = array<i32>} : memref<32xf32, #tpu.memory_space<vmem>>, vector<16xf32>,
    %get3A_326 = vector.shape_cast %get3A_325 : vector<16xf32> to vector<16xf32>
    %min3A_327 = arith.minimumf %min3A_319, %get3A_326 : vector<16xf32>
    %get3A_328 = arith.constant 6 : index
    %get3A_329 = tpu.vector_load %arg9[%get3A_328] {strides = array<i32>} : memref<32xf32, #tpu.memory_space<vmem>>, vector<16xf32>,
    %get3A_330 = vector.shape_cast %get3A_329 : vector<16xf32> to vector<16xf32>
    %max3A_331 = arith.maximumf %max3A_323, %get3A_330 : vector<16xf32>
    %get3A_332 = arith.constant 7 : index
    %get3A_333 = tpu.vector_load %arg8[%get3A_332] {strides = array<i32>} : memref<32xf32, #tpu.memory_space<vmem>>, vector<16xf32>,
    %get3A_334 = vector.shape_cast %get3A_333 : vector<16xf32> to vector<16xf32>
    %min3A_335 = arith.minimumf %min3A_327, %get3A_334 : vector<16xf32>
    %get3A_336 = arith.constant 7 : index
    %get3A_337 = tpu.vector_load %arg9[%get3A_336] {strides = array<i32>} : memref<32xf32, #tpu.memory_space<vmem>>, vector<16xf32>,
    %get3A_338 = vector.shape_cast %get3A_337 : vector<16xf32> to vector<16xf32>
    %max3A_339 = arith.maximumf %max3A_331, %get3A_338 : vector<16xf32>
    %get3A_340 = arith.constant 8 : index
    %get3A_341 = tpu.vector_load %arg8[%get3A_340] {strides = array<i32>} : memref<32xf32, #tpu.memory_space<vmem>>, vector<16xf32>,
    %get3A_342 = vector.shape_cast %get3A_341 : vector<16xf32> to vector<16xf32>
    %min3A_343 = arith.minimumf %min3A_335, %get3A_342 : vector<16xf32>
    %get3A_344 = arith.constant 8 : index
    %get3A_345 = tpu.vector_load %arg9[%get3A_344] {strides = array<i32>} : memref<32xf32, #tpu.memory_space<vmem>>, vector<16xf32>,
    %get3A_346 = vector.shape_cast %get3A_345 : vector<16xf32> to vector<16xf32>
    %max3A_347 = arith.maximumf %max3A_339, %get3A_346 : vector<16xf32>
    %get3A_348 = arith.constant 9 : index
    %get3A_349 = tpu.vector_load %arg8[%get3A_348] {strides = array<i32>} : memref<32xf32, #tpu.memory_space<vmem>>, vector<16xf32>,
    %get3A_350 = vector.shape_cast %get3A_349 : vector<16xf32> to vector<16xf32>
    %min3A_351 = arith.minimumf %min3A_343, %get3A_350 : vector<16xf32>
    %get3A_352 = arith.constant 9 : index
    %get3A_353 = tpu.vector_load %arg9[%get3A_352] {strides = array<i32>} : memref<32xf32, #tpu.memory_space<vmem>>, vector<16xf32>,
    %get3A_354 = vector.shape_cast %get3A_353 : vector<16xf32> to vector<16xf32>
    %max3A_355 = arith.maximumf %max3A_347, %get3A_354 : vector<16xf32>
    %get3A_356 = arith.constant 10 : index
    %get3A_357 = tpu.vector_load %arg8[%get3A_356] {strides = array<i32>} : memref<32xf32, #tpu.memory_space<vmem>>, vector<16xf32>,
    %get3A_358 = vector.shape_cast %get3A_357 : vector<16xf32> to vector<16xf32>
    %min3A_359 = arith.minimumf %min3A_351, %get3A_358 : vector<16xf32>
    %get3A_360 = arith.constant 10 : index
    %get3A_361 = tpu.vector_load %arg9[%get3A_360] {strides = array<i32>} : memref<32xf32, #tpu.memory_space<vmem>>, vector<16xf32>,
    %get3A_362 = vector.shape_cast %get3A_361 : vector<16xf32> to vector<16xf32>
    %max3A_363 = arith.maximumf %max3A_355, %get3A_362 : vector<16xf32>
    %get3A_364 = arith.constant 11 : index
    %get3A_365 = tpu.vector_load %arg8[%get3A_364] {strides = array<i32>} : memref<32xf32, #tpu.memory_space<vmem>>, vector<16xf32>,
    %get3A_366 = vector.shape_cast %get3A_365 : vector<16xf32> to vector<16xf32>
    %min3A_367 = arith.minimumf %min3A_359, %get3A_366 : vector<16xf32>
    %get3A_368 = arith.constant 11 : index
    %get3A_369 = tpu.vector_load %arg9[%get3A_368] {strides = array<i32>} : memref<32xf32, #tpu.memory_space<vmem>>, vector<16xf32>,
    %get3A_370 = vector.shape_cast %get3A_369 : vector<16xf32> to vector<16xf32>
    %max3A_371 = arith.maximumf %max3A_363, %get3A_370 : vector<16xf32>
    %get3A_372 = arith.constant 12 : index
    %get3A_373 = tpu.vector_load %arg8[%get3A_372] {strides = array<i32>} : memref<32xf32, #tpu.memory_space<vmem>>, vector<16xf32>,
    %get3A_374 = vector.shape_cast %get3A_373 : vector<16xf32> to vector<16xf32>
    %min3A_375 = arith.minimumf %min3A_367, %get3A_374 : vector<16xf32>
    %get3A_376 = arith.constant 12 : index
    %get3A_377 = tpu.vector_load %arg9[%get3A_376] {strides = array<i32>} : memref<32xf32, #tpu.memory_space<vmem>>, vector<16xf32>,
    %get3A_378 = vector.shape_cast %get3A_377 : vector<16xf32> to vector<16xf32>
    %max3A_379 = arith.maximumf %max3A_371, %get3A_378 : vector<16xf32>
    %get3A_380 = arith.constant 13 : index
    %get3A_381 = tpu.vector_load %arg8[%get3A_380] {strides = array<i32>} : memref<32xf32, #tpu.memory_space<vmem>>, vector<16xf32>,
    %get3A_382 = vector.shape_cast %get3A_381 : vector<16xf32> to vector<16xf32>
    %min3A_383 = arith.minimumf %min3A_375, %get3A_382 : vector<16xf32>
    %get3A_384 = arith.constant 13 : index
    %get3A_385 = tpu.vector_load %arg9[%get3A_384] {strides = array<i32>} : memref<32xf32, #tpu.memory_space<vmem>>, vector<16xf32>,
    %get3A_386 = vector.shape_cast %get3A_385 : vector<16xf32> to vector<16xf32>
    %max3A_387 = arith.maximumf %max3A_379, %get3A_386 : vector<16xf32>
    %get3A_388 = arith.constant 14 : index
    %get3A_389 = tpu.vector_load %arg8[%get3A_388] {strides = array<i32>} : memref<32xf32, #tpu.memory_space<vmem>>, vector<16xf32>,
    %get3A_390 = vector.shape_cast %get3A_389 : vector<16xf32> to vector<16xf32>
    %min3A_391 = arith.minimumf %min3A_383, %get3A_390 : vector<16xf32>
    %get3A_392 = arith.constant 14 : index
    %get3A_393 = tpu.vector_load %arg9[%get3A_392] {strides = array<i32>} : memref<32xf32, #tpu.memory_space<vmem>>, vector<16xf32>,
    %get3A_394 = vector.shape_cast %get3A_393 : vector<16xf32> to vector<16xf32>
    %max3A_395 = arith.maximumf %max3A_387, %get3A_394 : vector<16xf32>
    %get3A_396 = arith.constant 15 : index
    %get3A_397 = tpu.vector_load %arg8[%get3A_396] {strides = array<i32>} : memref<32xf32, #tpu.memory_space<vmem>>, vector<16xf32>,
    %get3A_398 = vector.shape_cast %get3A_397 : vector<16xf32> to vector<16xf32>
    %min3A_399 = arith.minimumf %min3A_391, %get3A_398 : vector<16xf32>
    %get3A_400 = arith.constant 15 : index
    %get3A_401 = tpu.vector_load %arg9[%get3A_400] {strides = array<i32>} : memref<32xf32, #tpu.memory_space<vmem>>, vector<16xf32>,
    %get3A_402 = vector.shape_cast %get3A_401 : vector<16xf32> to vector<16xf32>
    %max3A_403 = arith.maximumf %max3A_395, %get3A_402 : vector<16xf32>
    %sub3A = arith.subf %max3A_403, %min3A_399 : vector<16xf32>
    %mul3A_404 = arith.constant 3.906250e-03 : f32
    %mul3A_405 = vector.broadcast %mul3A_404 : f32 to vector<16xf32>
    %mul3A_406 = arith.mulf %sub3A, %mul3A_405 : vector<16xf32>
    %div3A = arith.constant 1.000000e+00 : f32
    %div3A_407 = vector.broadcast %div3A : f32 to vector<16xf32>
    %div3A_408 = arith.divf %div3A_407, %mul3A_406 : vector<16xf32>
    %scan3A = arith.constant 0 : i32
    %scan3A_409 = arith.constant 0 : i32
    %scan3A_410 = arith.constant 8 : i32
    %scan3A_411 = arith.addi %scan3A_409, %scan3A_410 : i32
    %scan3A_412 = arith.constant 1 : i32
    scf.for %scan3A_421 = %scan3A_409 to %scan3A_411 step %scan3A_412  : i32 {
      %mul3A_422 = arith.constant 4 : i32
      %mul3A_423 = arith.muli %scan3A_421, %mul3A_422 : i32
      %add3A_424 = arith.constant 0 : i32
      %add3A_425 = arith.addi %mul3A_423, %add3A_424 : i32
      %mul3A_426 = arith.constant 16384 : i32
      %mul3A_427 = arith.muli %add3A_425, %mul3A_426 : i32
      %add3A_428 = arith.addi %mul3A_2, %mul3A_427 : i32
      %dma_wait3A_429 = tpu.memref_slice %arg2[%add3A_428] : memref<16777216xf32, #tpu.memory_space<hbm>> -> memref<16384xf32, #tpu.memory_space<hbm>>
      %dma_wait3A_430 = tpu.memref_slice %arg2[%add3A_428] : memref<16777216xf32, #tpu.memory_space<hbm>> -> memref<16384xf32, #tpu.memory_space<hbm>>
      tpu.wait_dma2 semaphore(%arg16 : memref<!tpu.dma_semaphore, #tpu.memory_space<semaphore_mem>>) src(%dma_wait3A_430 : memref<16384xf32, #tpu.memory_space<hbm>>) dst(%arg10 : memref<16384xf32, #tpu.memory_space<vmem>>)
      %ge3A = arith.constant 2 : i32
      %ge3A_431 = arith.cmpi sge, %add3A_425, %ge3A : i32
      %convert_element_type3A = arith.extui %ge3A_431 : i1 to i32
      %cond3A = arith.constant 0 : i32
      %cond3A_432 = arith.cmpi ne, %convert_element_type3A, %cond3A : i32
      scf.if %cond3A_432 {
        %sub3A_533 = arith.constant 2 : i32
        %sub3A_534 = arith.subi %add3A_425, %sub3A_533 : i32
        %mul3A_535 = arith.constant 16384 : i32
        %mul3A_536 = arith.muli %sub3A_534, %mul3A_535 : i32
        %add3A_537 = arith.addi %mul3A_2, %mul3A_536 : i32
        %dma_wait3A_538 = tpu.memref_slice %arg5[%add3A_537] : memref<16777216xi32, #tpu.memory_space<hbm>> -> memref<16384xi32, #tpu.memory_space<hbm>>
        %dma_wait3A_539 = tpu.memref_slice %arg5[%add3A_537] : memref<16777216xi32, #tpu.memory_space<hbm>> -> memref<16384xi32, #tpu.memory_space<hbm>>
        tpu.wait_dma2 semaphore(%arg20 : memref<!tpu.dma_semaphore, #tpu.memory_space<semaphore_mem>>) src(%arg14 : memref<16384xi32, #tpu.memory_space<vmem>>) dst(%dma_wait3A_539 : memref<16384xi32, #tpu.memory_space<hbm>>)
      } else {
      }
      %parallel_loop3A = arith.constant 0 : i32
      %parallel_loop3A_433 = arith.constant 1024 : i32
      %parallel_loop3A_434 = arith.constant 1 : i32
      scf.for %parallel_loop3A_533 = %parallel_loop3A to %parallel_loop3A_433 step %parallel_loop3A_434  : i32 {
        %parallel_loop3A_534 = arith.constant 16 : i32
        %parallel_loop3A_535 = arith.muli %parallel_loop3A_533, %parallel_loop3A_534 : i32
        %parallel_loop3A_536 = arith.index_cast %parallel_loop3A_535 : i32 to index
        %parallel_loop3A_537 = tpu.vector_load %arg10[%parallel_loop3A_536] {strides = array<i32>} : memref<16384xf32, #tpu.memory_space<vmem>>, vector<16xf32>,
        %parallel_loop3A_538 = vector.shape_cast %parallel_loop3A_537 : vector<16xf32> to vector<16xf32>
        %parallel_loop3A_539 = arith.subf %parallel_loop3A_538, %min3A_399 : vector<16xf32>
        %parallel_loop3A_540 = arith.mulf %parallel_loop3A_539, %div3A_408 : vector<16xf32>
        %parallel_loop3A_541 = arith.fptosi %parallel_loop3A_540 : vector<16xf32> to vector<16xi32>
        %parallel_loop3A_542 = arith.index_cast %parallel_loop3A_535 : i32 to index
        %parallel_loop3A_543 = tpu.vector_load %arg14[%parallel_loop3A_542] {strides = array<i32>} : memref<16384xi32, #tpu.memory_space<vmem>>, vector<16xi32>,
        %parallel_loop3A_544 = vector.shape_cast %parallel_loop3A_543 : vector<16xi32> to vector<16xi32>
        %parallel_loop3A_545 = vector.shape_cast %parallel_loop3A_541 : vector<16xi32> to vector<16xi32>
        tpu.vector_store %arg14[%parallel_loop3A_542], %parallel_loop3A_545 {strides = array<i32>} : memref<16384xi32, #tpu.memory_space<vmem>>, vector<16xi32>,
      } {sc.loop_unroll_factor = 16 : i64, sc.parallel_access}
      %mul3A_435 = arith.constant 16384 : i32
      %mul3A_436 = arith.muli %add3A_425, %mul3A_435 : i32
      %add3A_437 = arith.addi %mul3A_2, %mul3A_436 : i32
      %dma_start3A_438 = tpu.memref_slice %arg5[%add3A_437] : memref<16777216xi32, #tpu.memory_space<hbm>> -> memref<16384xi32, #tpu.memory_space<hbm>>
      %dma_start3A_439 = tpu.memref_slice %arg5[%add3A_437] : memref<16777216xi32, #tpu.memory_space<hbm>> -> memref<16384xi32, #tpu.memory_space<hbm>>
      tpu.enqueue_dma source(%arg14 : memref<16384xi32, #tpu.memory_space<vmem>>) target(%dma_start3A_439 : memref<16384xi32, #tpu.memory_space<hbm>>) target_semaphore(%arg20 : memref<!tpu.dma_semaphore, #tpu.memory_space<semaphore_mem>>)
      %add3A_440 = arith.constant 4 : i32
      %add3A_441 = arith.addi %add3A_425, %add3A_440 : i32
      %lt3A = arith.constant 32 : i32
      %lt3A_442 = arith.cmpi slt, %add3A_441, %lt3A : i32
      %convert_element_type3A_443 = arith.extui %lt3A_442 : i1 to i32
      %cond3A_444 = arith.constant 0 : i32
      %cond3A_445 = arith.cmpi ne, %convert_element_type3A_443, %cond3A_444 : i32
      scf.if %cond3A_445 {
        %mul3A_533 = arith.constant 16384 : i32
        %mul3A_534 = arith.muli %add3A_441, %mul3A_533 : i32
        %add3A_535 = arith.addi %mul3A_2, %mul3A_534 : i32
        %dma_start3A_536 = tpu.memref_slice %arg2[%add3A_535] : memref<16777216xf32, #tpu.memory_space<hbm>> -> memref<16384xf32, #tpu.memory_space<hbm>>
        %dma_start3A_537 = tpu.memref_slice %arg2[%add3A_535] : memref<16777216xf32, #tpu.memory_space<hbm>> -> memref<16384xf32, #tpu.memory_space<hbm>>
        tpu.enqueue_dma source(%dma_start3A_537 : memref<16384xf32, #tpu.memory_space<hbm>>) target(%arg10 : memref<16384xf32, #tpu.memory_space<vmem>>) target_semaphore(%arg16 : memref<!tpu.dma_semaphore, #tpu.memory_space<semaphore_mem>>)
      } else {
      }
      %mul3A_446 = arith.constant 4 : i32
      %mul3A_447 = arith.muli %scan3A_421, %mul3A_446 : i32
      %add3A_448 = arith.constant 1 : i32
      %add3A_449 = arith.addi %mul3A_447, %add3A_448 : i32
      %mul3A_450 = arith.constant 16384 : i32
      %mul3A_451 = arith.muli %add3A_449, %mul3A_450 : i32
      %add3A_452 = arith.addi %mul3A_2, %mul3A_451 : i32
      %dma_wait3A_453 = tpu.memref_slice %arg2[%add3A_452] : memref<16777216xf32, #tpu.memory_space<hbm>> -> memref<16384xf32, #tpu.memory_space<hbm>>
      %dma_wait3A_454 = tpu.memref_slice %arg2[%add3A_452] : memref<16777216xf32, #tpu.memory_space<hbm>> -> memref<16384xf32, #tpu.memory_space<hbm>>
      tpu.wait_dma2 semaphore(%arg17 : memref<!tpu.dma_semaphore, #tpu.memory_space<semaphore_mem>>) src(%dma_wait3A_454 : memref<16384xf32, #tpu.memory_space<hbm>>) dst(%arg11 : memref<16384xf32, #tpu.memory_space<vmem>>)
      %ge3A_455 = arith.constant 2 : i32
      %ge3A_456 = arith.cmpi sge, %add3A_449, %ge3A_455 : i32
      %convert_element_type3A_457 = arith.extui %ge3A_456 : i1 to i32
      %cond3A_458 = arith.constant 0 : i32
      %cond3A_459 = arith.cmpi ne, %convert_element_type3A_457, %cond3A_458 : i32
      scf.if %cond3A_459 {
        %sub3A_533 = arith.constant 2 : i32
        %sub3A_534 = arith.subi %add3A_449, %sub3A_533 : i32
        %mul3A_535 = arith.constant 16384 : i32
        %mul3A_536 = arith.muli %sub3A_534, %mul3A_535 : i32
        %add3A_537 = arith.addi %mul3A_2, %mul3A_536 : i32
        %dma_wait3A_538 = tpu.memref_slice %arg5[%add3A_537] : memref<16777216xi32, #tpu.memory_space<hbm>> -> memref<16384xi32, #tpu.memory_space<hbm>>
        %dma_wait3A_539 = tpu.memref_slice %arg5[%add3A_537] : memref<16777216xi32, #tpu.memory_space<hbm>> -> memref<16384xi32, #tpu.memory_space<hbm>>
        tpu.wait_dma2 semaphore(%arg21 : memref<!tpu.dma_semaphore, #tpu.memory_space<semaphore_mem>>) src(%arg15 : memref<16384xi32, #tpu.memory_space<vmem>>) dst(%dma_wait3A_539 : memref<16384xi32, #tpu.memory_space<hbm>>)
      } else {
      }
      %parallel_loop3A_460 = arith.constant 0 : i32
      %parallel_loop3A_461 = arith.constant 1024 : i32
      %parallel_loop3A_462 = arith.constant 1 : i32
      scf.for %parallel_loop3A_533 = %parallel_loop3A_460 to %parallel_loop3A_461 step %parallel_loop3A_462  : i32 {
        %parallel_loop3A_534 = arith.constant 16 : i32
        %parallel_loop3A_535 = arith.muli %parallel_loop3A_533, %parallel_loop3A_534 : i32
        %parallel_loop3A_536 = arith.index_cast %parallel_loop3A_535 : i32 to index
        %parallel_loop3A_537 = tpu.vector_load %arg11[%parallel_loop3A_536] {strides = array<i32>} : memref<16384xf32, #tpu.memory_space<vmem>>, vector<16xf32>,
        %parallel_loop3A_538 = vector.shape_cast %parallel_loop3A_537 : vector<16xf32> to vector<16xf32>
        %parallel_loop3A_539 = arith.subf %parallel_loop3A_538, %min3A_399 : vector<16xf32>
        %parallel_loop3A_540 = arith.mulf %parallel_loop3A_539, %div3A_408 : vector<16xf32>
        %parallel_loop3A_541 = arith.fptosi %parallel_loop3A_540 : vector<16xf32> to vector<16xi32>
        %parallel_loop3A_542 = arith.index_cast %parallel_loop3A_535 : i32 to index
        %parallel_loop3A_543 = tpu.vector_load %arg15[%parallel_loop3A_542] {strides = array<i32>} : memref<16384xi32, #tpu.memory_space<vmem>>, vector<16xi32>,
        %parallel_loop3A_544 = vector.shape_cast %parallel_loop3A_543 : vector<16xi32> to vector<16xi32>
        %parallel_loop3A_545 = vector.shape_cast %parallel_loop3A_541 : vector<16xi32> to vector<16xi32>
        tpu.vector_store %arg15[%parallel_loop3A_542], %parallel_loop3A_545 {strides = array<i32>} : memref<16384xi32, #tpu.memory_space<vmem>>, vector<16xi32>,
      } {sc.loop_unroll_factor = 16 : i64, sc.parallel_access}
      %mul3A_463 = arith.constant 16384 : i32
      %mul3A_464 = arith.muli %add3A_449, %mul3A_463 : i32
      %add3A_465 = arith.addi %mul3A_2, %mul3A_464 : i32
      %dma_start3A_466 = tpu.memref_slice %arg5[%add3A_465] : memref<16777216xi32, #tpu.memory_space<hbm>> -> memref<16384xi32, #tpu.memory_space<hbm>>
      %dma_start3A_467 = tpu.memref_slice %arg5[%add3A_465] : memref<16777216xi32, #tpu.memory_space<hbm>> -> memref<16384xi32, #tpu.memory_space<hbm>>
      tpu.enqueue_dma source(%arg15 : memref<16384xi32, #tpu.memory_space<vmem>>) target(%dma_start3A_467 : memref<16384xi32, #tpu.memory_space<hbm>>) target_semaphore(%arg21 : memref<!tpu.dma_semaphore, #tpu.memory_space<semaphore_mem>>)
      %add3A_468 = arith.constant 4 : i32
      %add3A_469 = arith.addi %add3A_449, %add3A_468 : i32
      %lt3A_470 = arith.constant 32 : i32
      %lt3A_471 = arith.cmpi slt, %add3A_469, %lt3A_470 : i32
      %convert_element_type3A_472 = arith.extui %lt3A_471 : i1 to i32
      %cond3A_473 = arith.constant 0 : i32
      %cond3A_474 = arith.cmpi ne, %convert_element_type3A_472, %cond3A_473 : i32
      scf.if %cond3A_474 {
        %mul3A_533 = arith.constant 16384 : i32
        %mul3A_534 = arith.muli %add3A_469, %mul3A_533 : i32
        %add3A_535 = arith.addi %mul3A_2, %mul3A_534 : i32
        %dma_start3A_536 = tpu.memref_slice %arg2[%add3A_535] : memref<16777216xf32, #tpu.memory_space<hbm>> -> memref<16384xf32, #tpu.memory_space<hbm>>
        %dma_start3A_537 = tpu.memref_slice %arg2[%add3A_535] : memref<16777216xf32, #tpu.memory_space<hbm>> -> memref<16384xf32, #tpu.memory_space<hbm>>
        tpu.enqueue_dma source(%dma_start3A_537 : memref<16384xf32, #tpu.memory_space<hbm>>) target(%arg11 : memref<16384xf32, #tpu.memory_space<vmem>>) target_semaphore(%arg17 : memref<!tpu.dma_semaphore, #tpu.memory_space<semaphore_mem>>)
      } else {
      }
      %mul3A_475 = arith.constant 4 : i32
      %mul3A_476 = arith.muli %scan3A_421, %mul3A_475 : i32
      %add3A_477 = arith.constant 2 : i32
      %add3A_478 = arith.addi %mul3A_476, %add3A_477 : i32
      %mul3A_479 = arith.constant 16384 : i32
      %mul3A_480 = arith.muli %add3A_478, %mul3A_479 : i32
      %add3A_481 = arith.addi %mul3A_2, %mul3A_480 : i32
      %dma_wait3A_482 = tpu.memref_slice %arg2[%add3A_481] : memref<16777216xf32, #tpu.memory_space<hbm>> -> memref<16384xf32, #tpu.memory_space<hbm>>
      %dma_wait3A_483 = tpu.memref_slice %arg2[%add3A_481] : memref<16777216xf32, #tpu.memory_space<hbm>> -> memref<16384xf32, #tpu.memory_space<hbm>>
      tpu.wait_dma2 semaphore(%arg18 : memref<!tpu.dma_semaphore, #tpu.memory_space<semaphore_mem>>) src(%dma_wait3A_483 : memref<16384xf32, #tpu.memory_space<hbm>>) dst(%arg12 : memref<16384xf32, #tpu.memory_space<vmem>>)
      %ge3A_484 = arith.constant 2 : i32
      %ge3A_485 = arith.cmpi sge, %add3A_478, %ge3A_484 : i32
      %convert_element_type3A_486 = arith.extui %ge3A_485 : i1 to i32
      %cond3A_487 = arith.constant 0 : i32
      %cond3A_488 = arith.cmpi ne, %convert_element_type3A_486, %cond3A_487 : i32
      scf.if %cond3A_488 {
        %sub3A_533 = arith.constant 2 : i32
        %sub3A_534 = arith.subi %add3A_478, %sub3A_533 : i32
        %mul3A_535 = arith.constant 16384 : i32
        %mul3A_536 = arith.muli %sub3A_534, %mul3A_535 : i32
        %add3A_537 = arith.addi %mul3A_2, %mul3A_536 : i32
        %dma_wait3A_538 = tpu.memref_slice %arg5[%add3A_537] : memref<16777216xi32, #tpu.memory_space<hbm>> -> memref<16384xi32, #tpu.memory_space<hbm>>
        %dma_wait3A_539 = tpu.memref_slice %arg5[%add3A_537] : memref<16777216xi32, #tpu.memory_space<hbm>> -> memref<16384xi32, #tpu.memory_space<hbm>>
        tpu.wait_dma2 semaphore(%arg20 : memref<!tpu.dma_semaphore, #tpu.memory_space<semaphore_mem>>) src(%arg14 : memref<16384xi32, #tpu.memory_space<vmem>>) dst(%dma_wait3A_539 : memref<16384xi32, #tpu.memory_space<hbm>>)
      } else {
      }
      %parallel_loop3A_489 = arith.constant 0 : i32
      %parallel_loop3A_490 = arith.constant 1024 : i32
      %parallel_loop3A_491 = arith.constant 1 : i32
      scf.for %parallel_loop3A_533 = %parallel_loop3A_489 to %parallel_loop3A_490 step %parallel_loop3A_491  : i32 {
        %parallel_loop3A_534 = arith.constant 16 : i32
        %parallel_loop3A_535 = arith.muli %parallel_loop3A_533, %parallel_loop3A_534 : i32
        %parallel_loop3A_536 = arith.index_cast %parallel_loop3A_535 : i32 to index
        %parallel_loop3A_537 = tpu.vector_load %arg12[%parallel_loop3A_536] {strides = array<i32>} : memref<16384xf32, #tpu.memory_space<vmem>>, vector<16xf32>,
        %parallel_loop3A_538 = vector.shape_cast %parallel_loop3A_537 : vector<16xf32> to vector<16xf32>
        %parallel_loop3A_539 = arith.subf %parallel_loop3A_538, %min3A_399 : vector<16xf32>
        %parallel_loop3A_540 = arith.mulf %parallel_loop3A_539, %div3A_408 : vector<16xf32>
        %parallel_loop3A_541 = arith.fptosi %parallel_loop3A_540 : vector<16xf32> to vector<16xi32>
        %parallel_loop3A_542 = arith.index_cast %parallel_loop3A_535 : i32 to index
        %parallel_loop3A_543 = tpu.vector_load %arg14[%parallel_loop3A_542] {strides = array<i32>} : memref<16384xi32, #tpu.memory_space<vmem>>, vector<16xi32>,
        %parallel_loop3A_544 = vector.shape_cast %parallel_loop3A_543 : vector<16xi32> to vector<16xi32>
        %parallel_loop3A_545 = vector.shape_cast %parallel_loop3A_541 : vector<16xi32> to vector<16xi32>
        tpu.vector_store %arg14[%parallel_loop3A_542], %parallel_loop3A_545 {strides = array<i32>} : memref<16384xi32, #tpu.memory_space<vmem>>, vector<16xi32>,
      } {sc.loop_unroll_factor = 16 : i64, sc.parallel_access}
      %mul3A_492 = arith.constant 16384 : i32
      %mul3A_493 = arith.muli %add3A_478, %mul3A_492 : i32
      %add3A_494 = arith.addi %mul3A_2, %mul3A_493 : i32
      %dma_start3A_495 = tpu.memref_slice %arg5[%add3A_494] : memref<16777216xi32, #tpu.memory_space<hbm>> -> memref<16384xi32, #tpu.memory_space<hbm>>
      %dma_start3A_496 = tpu.memref_slice %arg5[%add3A_494] : memref<16777216xi32, #tpu.memory_space<hbm>> -> memref<16384xi32, #tpu.memory_space<hbm>>
      tpu.enqueue_dma source(%arg14 : memref<16384xi32, #tpu.memory_space<vmem>>) target(%dma_start3A_496 : memref<16384xi32, #tpu.memory_space<hbm>>) target_semaphore(%arg20 : memref<!tpu.dma_semaphore, #tpu.memory_space<semaphore_mem>>)
      %add3A_497 = arith.constant 4 : i32
      %add3A_498 = arith.addi %add3A_478, %add3A_497 : i32
      %lt3A_499 = arith.constant 32 : i32
      %lt3A_500 = arith.cmpi slt, %add3A_498, %lt3A_499 : i32
      %convert_element_type3A_501 = arith.extui %lt3A_500 : i1 to i32
      %cond3A_502 = arith.constant 0 : i32
      %cond3A_503 = arith.cmpi ne, %convert_element_type3A_501, %cond3A_502 : i32
      scf.if %cond3A_503 {
        %mul3A_533 = arith.constant 16384 : i32
        %mul3A_534 = arith.muli %add3A_498, %mul3A_533 : i32
        %add3A_535 = arith.addi %mul3A_2, %mul3A_534 : i32
        %dma_start3A_536 = tpu.memref_slice %arg2[%add3A_535] : memref<16777216xf32, #tpu.memory_space<hbm>> -> memref<16384xf32, #tpu.memory_space<hbm>>
        %dma_start3A_537 = tpu.memref_slice %arg2[%add3A_535] : memref<16777216xf32, #tpu.memory_space<hbm>> -> memref<16384xf32, #tpu.memory_space<hbm>>
        tpu.enqueue_dma source(%dma_start3A_537 : memref<16384xf32, #tpu.memory_space<hbm>>) target(%arg12 : memref<16384xf32, #tpu.memory_space<vmem>>) target_semaphore(%arg18 : memref<!tpu.dma_semaphore, #tpu.memory_space<semaphore_mem>>)
      } else {
      }
      %mul3A_504 = arith.constant 4 : i32
      %mul3A_505 = arith.muli %scan3A_421, %mul3A_504 : i32
      %add3A_506 = arith.constant 3 : i32
      %add3A_507 = arith.addi %mul3A_505, %add3A_506 : i32
      %mul3A_508 = arith.constant 16384 : i32
      %mul3A_509 = arith.muli %add3A_507, %mul3A_508 : i32
      %add3A_510 = arith.addi %mul3A_2, %mul3A_509 : i32
      %dma_wait3A_511 = tpu.memref_slice %arg2[%add3A_510] : memref<16777216xf32, #tpu.memory_space<hbm>> -> memref<16384xf32, #tpu.memory_space<hbm>>
      %dma_wait3A_512 = tpu.memref_slice %arg2[%add3A_510] : memref<16777216xf32, #tpu.memory_space<hbm>> -> memref<16384xf32, #tpu.memory_space<hbm>>
      tpu.wait_dma2 semaphore(%arg19 : memref<!tpu.dma_semaphore, #tpu.memory_space<semaphore_mem>>) src(%dma_wait3A_512 : memref<16384xf32, #tpu.memory_space<hbm>>) dst(%arg13 : memref<16384xf32, #tpu.memory_space<vmem>>)
      %ge3A_513 = arith.constant 2 : i32
      %ge3A_514 = arith.cmpi sge, %add3A_507, %ge3A_513 : i32
      %convert_element_type3A_515 = arith.extui %ge3A_514 : i1 to i32
      %cond3A_516 = arith.constant 0 : i32
      %cond3A_517 = arith.cmpi ne, %convert_element_type3A_515, %cond3A_516 : i32
      scf.if %cond3A_517 {
        %sub3A_533 = arith.constant 2 : i32
        %sub3A_534 = arith.subi %add3A_507, %sub3A_533 : i32
        %mul3A_535 = arith.constant 16384 : i32
        %mul3A_536 = arith.muli %sub3A_534, %mul3A_535 : i32
        %add3A_537 = arith.addi %mul3A_2, %mul3A_536 : i32
        %dma_wait3A_538 = tpu.memref_slice %arg5[%add3A_537] : memref<16777216xi32, #tpu.memory_space<hbm>> -> memref<16384xi32, #tpu.memory_space<hbm>>
        %dma_wait3A_539 = tpu.memref_slice %arg5[%add3A_537] : memref<16777216xi32, #tpu.memory_space<hbm>> -> memref<16384xi32, #tpu.memory_space<hbm>>
        tpu.wait_dma2 semaphore(%arg21 : memref<!tpu.dma_semaphore, #tpu.memory_space<semaphore_mem>>) src(%arg15 : memref<16384xi32, #tpu.memory_space<vmem>>) dst(%dma_wait3A_539 : memref<16384xi32, #tpu.memory_space<hbm>>)
      } else {
      }
      %parallel_loop3A_518 = arith.constant 0 : i32
      %parallel_loop3A_519 = arith.constant 1024 : i32
      %parallel_loop3A_520 = arith.constant 1 : i32
      scf.for %parallel_loop3A_533 = %parallel_loop3A_518 to %parallel_loop3A_519 step %parallel_loop3A_520  : i32 {
        %parallel_loop3A_534 = arith.constant 16 : i32
        %parallel_loop3A_535 = arith.muli %parallel_loop3A_533, %parallel_loop3A_534 : i32
        %parallel_loop3A_536 = arith.index_cast %parallel_loop3A_535 : i32 to index
        %parallel_loop3A_537 = tpu.vector_load %arg13[%parallel_loop3A_536] {strides = array<i32>} : memref<16384xf32, #tpu.memory_space<vmem>>, vector<16xf32>,
        %parallel_loop3A_538 = vector.shape_cast %parallel_loop3A_537 : vector<16xf32> to vector<16xf32>
        %parallel_loop3A_539 = arith.subf %parallel_loop3A_538, %min3A_399 : vector<16xf32>
        %parallel_loop3A_540 = arith.mulf %parallel_loop3A_539, %div3A_408 : vector<16xf32>
        %parallel_loop3A_541 = arith.fptosi %parallel_loop3A_540 : vector<16xf32> to vector<16xi32>
        %parallel_loop3A_542 = arith.index_cast %parallel_loop3A_535 : i32 to index
        %parallel_loop3A_543 = tpu.vector_load %arg15[%parallel_loop3A_542] {strides = array<i32>} : memref<16384xi32, #tpu.memory_space<vmem>>, vector<16xi32>,
        %parallel_loop3A_544 = vector.shape_cast %parallel_loop3A_543 : vector<16xi32> to vector<16xi32>
        %parallel_loop3A_545 = vector.shape_cast %parallel_loop3A_541 : vector<16xi32> to vector<16xi32>
        tpu.vector_store %arg15[%parallel_loop3A_542], %parallel_loop3A_545 {strides = array<i32>} : memref<16384xi32, #tpu.memory_space<vmem>>, vector<16xi32>,
      } {sc.loop_unroll_factor = 16 : i64, sc.parallel_access}
      %mul3A_521 = arith.constant 16384 : i32
      %mul3A_522 = arith.muli %add3A_507, %mul3A_521 : i32
      %add3A_523 = arith.addi %mul3A_2, %mul3A_522 : i32
      %dma_start3A_524 = tpu.memref_slice %arg5[%add3A_523] : memref<16777216xi32, #tpu.memory_space<hbm>> -> memref<16384xi32, #tpu.memory_space<hbm>>
      %dma_start3A_525 = tpu.memref_slice %arg5[%add3A_523] : memref<16777216xi32, #tpu.memory_space<hbm>> -> memref<16384xi32, #tpu.memory_space<hbm>>
      tpu.enqueue_dma source(%arg15 : memref<16384xi32, #tpu.memory_space<vmem>>) target(%dma_start3A_525 : memref<16384xi32, #tpu.memory_space<hbm>>) target_semaphore(%arg21 : memref<!tpu.dma_semaphore, #tpu.memory_space<semaphore_mem>>)
      %add3A_526 = arith.constant 4 : i32
      %add3A_527 = arith.addi %add3A_507, %add3A_526 : i32
      %lt3A_528 = arith.constant 32 : i32
      %lt3A_529 = arith.cmpi slt, %add3A_527, %lt3A_528 : i32
      %convert_element_type3A_530 = arith.extui %lt3A_529 : i1 to i32
      %cond3A_531 = arith.constant 0 : i32
      %cond3A_532 = arith.cmpi ne, %convert_element_type3A_530, %cond3A_531 : i32
      scf.if %cond3A_532 {
        %mul3A_533 = arith.constant 16384 : i32
        %mul3A_534 = arith.muli %add3A_527, %mul3A_533 : i32
        %add3A_535 = arith.addi %mul3A_2, %mul3A_534 : i32
        %dma_start3A_536 = tpu.memref_slice %arg2[%add3A_535] : memref<16777216xf32, #tpu.memory_space<hbm>> -> memref<16384xf32, #tpu.memory_space<hbm>>
        %dma_start3A_537 = tpu.memref_slice %arg2[%add3A_535] : memref<16777216xf32, #tpu.memory_space<hbm>> -> memref<16384xf32, #tpu.memory_space<hbm>>
        tpu.enqueue_dma source(%dma_start3A_537 : memref<16384xf32, #tpu.memory_space<hbm>>) target(%arg13 : memref<16384xf32, #tpu.memory_space<vmem>>) target_semaphore(%arg19 : memref<!tpu.dma_semaphore, #tpu.memory_space<semaphore_mem>>)
      } else {
      }
    }
    %scan3A_413 = arith.constant 8 : i32
    %add3A_414 = arith.constant 491520 : i32
    %add3A_415 = arith.addi %mul3A_2, %add3A_414 : i32
    %dma_wait3A = tpu.memref_slice %arg5[%add3A_415] : memref<16777216xi32, #tpu.memory_space<hbm>> -> memref<16384xi32, #tpu.memory_space<hbm>>
    %dma_wait3A_416 = tpu.memref_slice %arg5[%add3A_415] : memref<16777216xi32, #tpu.memory_space<hbm>> -> memref<16384xi32, #tpu.memory_space<hbm>>
    tpu.wait_dma2 semaphore(%arg20 : memref<!tpu.dma_semaphore, #tpu.memory_space<semaphore_mem>>) src(%arg14 : memref<16384xi32, #tpu.memory_space<vmem>>) dst(%dma_wait3A_416 : memref<16384xi32, #tpu.memory_space<hbm>>)
    %add3A_417 = arith.constant 507904 : i32
    %add3A_418 = arith.addi %mul3A_2, %add3A_417 : i32
    %dma_wait3A_419 = tpu.memref_slice %arg5[%add3A_418] : memref<16777216xi32, #tpu.memory_space<hbm>> -> memref<16384xi32, #tpu.memory_space<hbm>>
    %dma_wait3A_420 = tpu.memref_slice %arg5[%add3A_418] : memref<16777216xi32, #tpu.memory_space<hbm>> -> memref<16384xi32, #tpu.memory_space<hbm>>
    tpu.wait_dma2 semaphore(%arg21 : memref<!tpu.dma_semaphore, #tpu.memory_space<semaphore_mem>>) src(%arg15 : memref<16384xi32, #tpu.memory_space<vmem>>) dst(%dma_wait3A_420 : memref<16384xi32, #tpu.memory_space<hbm>>)
    return
  }
}

</mosaic_0001>

<sc_bundles>
// kernel: kernel.4.cloned.1.call-start
scs
__scs_entry_jumppad:
0x0: {  	(pc) =	sbr.rel $0x88, $3  }
0x1: {  	(tag) =	ssettag $0x0;
	lr =	simm.s32 $0x1  }
0x2: {  	[smem:$0x3FA0] =	sst lr;
	_ =	strace $0xD0000000  }
0x3: {  	_ = 	snop  }
0x4: {  	_ = 	snop  }
0x5: {  	_ = 	snop  }
0x6: {  	_ = 	snop  }
0x7: {  	_ = 	snop  }
__scs_overlays_trampoline_lowered:
0x8: {  	[smem:$0x3FAF] =	sst s0  }
0x9: {  	[smem:$0x3FB0] =	sst s1  }
0xa: {  	[smem:$0x3FB1] =	sst s2  }
0xb: {  	[smem:$0x3FB2] =	sst s3  }
0xc: {  	[smem:$0x3FB3] =	sst s4  }
0xd: {  	[smem:$0x3FB4] =	sst s5  }
0xe: {  	[smem:$0x3FB5] =	sst s6  }
0xf: {  	[smem:$0x3FB6] =	sst s7  }
0x10: {  	[smem:$0x3FB7] =	sst s8  }
0x11: {  	[smem:$0x3FB8] =	sst s9;
	s0 =	simm.s32 @!p0 $0x0  }
0x12: {  	s1 =	sld [smem:$0x3F9E];
	s0 =	simm.s32 @p0 $0x1  }
0x13: {  	[smem:$0x3FB9] =	sst s0;
	s0 =	simm.s32 @!p1 $0x0  }
0x14: {  	s2 =	sld [smem:$0x3F9D];
	s0 =	simm.s32 @p1 $0x1  }
0x15: {  	[smem:$0x3FBA] =	sst s0;
	s0 =	simm.s32 @!p2 $0x0  }
0x16: {  	s3 =	sld [smem:$0x3FDB];
	s0 =	simm.s32 @p2 $0x1  }
0x17: {  	s4 =	simm.s32 $0x1BF5;
	[smem:$0x3FBC] =	sst s0  }
0x18: {  	s0 =	sld [smem:$0x3F9F];
	_ =	swait.ge [sflag:s4], $0x0  }
0x19: {  	s7 =	sld [smem:$0x3FA0]  }
0x1a: {  	s8 =	sadd.s32 $0xFFFFE003, lr  }
0x1b: {  	s9 =	sadd.s32 $0xFFFFFEF7, lr;
	s5 =	simm.s32 $0xFFFFFFFF;
	p2 =	slt.u32 s8, $0xFFFFF086  }
0x1c: {  	p1 =	slt.u32 s9, $0xF7A;
	s5 =	simm.s32 @!p2 $0x0  }
0x1d: {  	s5 =	simm.s32 @p1 $0x1;
	p0 =	seq.s32 s7, s2  }
0x1e: {  	s7 =	smul.u32 @!p0 $0xF7A, s2;
	p2 =	seq.s32 @!p0 s5, $0x0  }
0x1f: {  	s9 =	smul.u32 $0xF7A, s1;
	s8 =	simm.s32 @!p0 $0x1BF5;
	p2 =	por !p2, p0  }
0x20: {  	[sflag:s8] =	ssyncset.s32 @!p0 $0xFFFFF086;
	s6 =	sadd.s32 @!p0 s3, s7;
	s7 =	simm.s32 @!p0 $0x108  }
0x21: {  	s3 =	sadd.s32 s3, s9;
	s6 =	sadd.s32 @!p0 $0x88, s6;
	s7 =	simm.s32 @p2 $0x1082  }
0x22: {  	[simem:s7], [sflag:s8] =	dma.local @!p0 [hbm:s6], $0xF7A  }
0x23: {  	s9 =	sor.u32 $0xD0000000, s2;
	s6 =	simm.s32 $0x108;
	_ =	swait.ge @!p0 [sflag:s8], $0x0  }
0x24: {  	s3 =	sadd.s32 $0x88, s3;
	s6 =	simm.s32 @!p1 $0x1082;
	[sflag:s4] =	ssyncset.s32 $0xFFFFF086  }
0x25: {  	[simem:s6], [sflag:s4] =	dma.local [hbm:s3], $0xF7A  }
0x26: {  	[smem:$0x3FA0] =	sst s1;
	(tag) =	ssettag s2;
	_ =	strace s9  }
0x27: {  	s1 =	sld [smem:$0x3FB0]  }
0x28: {  	s2 =	sld [smem:$0x3FB1]  }
0x29: {  	s4 =	sld [smem:$0x3FB3]  }
0x2a: {  	p0 =	seq.s32 s5, $0x0;
	s5 =	sld [smem:$0x3FB4]  }
0x2b: {  	s6 =	sld [smem:$0x3FB5]  }
0x2c: {  	s7 =	sld [smem:$0x3FB6]  }
0x2d: {  	s3 =	simm.s32 $0x108;
	s8 =	sld [smem:$0x3FB7]  }
0x2e: {  	s3 =	simm.s32 @!p0 $0x1082;
	s9 =	sld [smem:$0x3FB8]  }
0x2f: {  	lr =	sadd.s32 s0, s3;
	s0 =	sld [smem:$0x3FAF]  }
0x30: {  	s3 =	sld [smem:$0x3FB2]  }
0x31: {  	[smem:$0x3FBB] =	sst s10  }
0x32: {  	s10 =	sld [smem:$0x3FB9];
	_ =	sdelay $0x3  }
0x33: {  	p0 =	seq.s32 s10, $0x1;
	s10 =	sld [smem:$0x3FBB];
	_ =	sdelay $0x3  }
0x34: {  	[smem:$0x3FBB] =	sst s10  }
0x35: {  	s10 =	sld [smem:$0x3FBA];
	_ =	sdelay $0x3  }
0x36: {  	p1 =	seq.s32 s10, $0x1;
	s10 =	sld [smem:$0x3FBB];
	_ =	sdelay $0x3  }
0x37: {  	[smem:$0x3FBB] =	sst s10  }
0x38: {  	s10 =	sld [smem:$0x3FBC]  }
0x39: {  	_ = 	snop;
	(pc) =	sbr.ind lr, $3  }
0x3a: {  	_ = 	snop  }
0x3b: {  	_ = 	snop  }
0x3c: {  	p2 =	seq.s32 s10, $0x1;
	s10 =	sld [smem:$0x3FBB]  }
0x3d: {  	_ =	shalt  }
0x3e: {  	_ =	shalt  }
0x3f: {  	_ =	shalt  }
0x40: {  	_ =	shalt  }
0x41: {  	_ =	shalt  }
0x42: {  	_ =	shalt  }
0x43: {  	_ =	shalt  }
0x44: {  	_ =	shalt  }
0x45: {  	_ =	shalt  }
0x46: {  	_ =	shalt  }
0x47: {  	_ =	shalt  }
0x48: {  	_ =	shalt  }
0x49: {  	_ =	shalt  }
0x4a: {  	_ =	shalt  }
0x4b: {  	_ =	shalt  }
0x4c: {  	_ =	shalt  }
0x4d: {  	_ =	shalt  }
0x4e: {  	_ =	shalt  }
0x4f: {  	_ =	shalt  }
0x50: {  	_ =	shalt  }
0x51: {  	_ =	shalt  }
0x52: {  	_ =	shalt  }
0x53: {  	_ =	shalt  }
0x54: {  	_ =	shalt  }
0x55: {  	_ =	shalt  }
0x56: {  	_ =	shalt  }
0x57: {  	_ =	shalt  }
0x58: {  	_ =	shalt  }
0x59: {  	_ =	shalt  }
0x5a: {  	_ =	shalt  }
0x5b: {  	_ =	shalt  }
0x5c: {  	_ =	shalt  }
0x5d: {  	_ =	shalt  }
0x5e: {  	_ =	shalt  }
0x5f: {  	_ =	shalt  }
0x60: {  	_ =	shalt  }
0x61: {  	_ =	shalt  }
0x62: {  	_ =	shalt  }
0x63: {  	_ =	shalt  }
0x64: {  	_ =	shalt  }
0x65: {  	_ =	shalt  }
0x66: {  	_ =	shalt  }
0x67: {  	_ =	shalt  }
0x68: {  	_ =	shalt  }
0x69: {  	_ =	shalt  }
0x6a: {  	_ =	shalt  }
0x6b: {  	_ =	shalt  }
0x6c: {  	_ =	shalt  }
0x6d: {  	_ =	shalt  }
0x6e: {  	_ =	shalt  }
0x6f: {  	_ =	shalt  }
0x70: {  	_ =	shalt  }
0x71: {  	_ =	shalt  }
0x72: {  	_ =	shalt  }
0x73: {  	_ =	shalt  }
0x74: {  	_ =	shalt  }
0x75: {  	_ =	shalt  }
0x76: {  	_ =	shalt  }
0x77: {  	_ =	shalt  }
0x78: {  	_ =	shalt  }
0x79: {  	_ =	shalt  }
0x7a: {  	_ =	shalt  }
0x7b: {  	_ =	shalt  }
0x7c: {  	_ =	shalt  }
0x7d: {  	_ =	shalt  }
0x7e: {  	_ =	shalt  }
0x7f: {  	_ =	shalt  }
0x80: {  	_ =	shalt  }
0x81: {  	_ =	shalt  }
0x82: {  	_ =	shalt  }
0x83: {  	_ =	shalt  }
0x84: {  	_ =	shalt  }
0x85: {  	_ =	shalt  }
0x86: {  	_ =	shalt  }
0x87: {  	_ =	shalt  }
.Lfunc_end0:
.L_simem_size_0:
called_computation_lowered:
.L_overlay_start_0:
0x88: {  	s2 =	sld [smem:$0x3FD9]  }
0x89: {  	s3 =	sld [smem:$0x3FFE];
	_ =	sdelay $0x1  }
0x8a: {  	s1 =	srdreg.scid  }
0x8b: {  	s0 =	sand.u32 $0x1, s1  }
0x8c: {  	s17 =	sshll.u32 s0, $0xA;
	s2 =	sadd.s32 s3, s2  }
0x8d: {  	s2 =	sadd.s32 s2, s17  }
0x8e: {  	[smem:$0x3FC7] =	sst s2  }
0x8f: {  	_ = 	snop  }
0x90: {  	s2 =	sld [smem:$0x3FC9];
	(tm) =	ssettm $0x1  }
0x91: {  	s18 =	sld [smem:$0x3FFB];
	_ =	sdelay $0x3  }
0x92: {  	_ =	strace s18  }
0x93: {  	s3 =	sld [smem:$0x3FFC];
	_ =	sdelay $0x3  }
0x94: {  	_ =	strace s3  }
0x95: {  	s3 =	sld [smem:$0x3FFD];
	_ =	sdelay $0x3  }
0x96: {  	_ =	strace s3  }
0x97: {  	_ =	strace $0x8FFFFFFF  }
0x98: {  	s19 =	sld [smem:$0x3FDB];
	_ =	sdelay $0x1  }
0x99: {  	s4 =	simm.s32 $_scs_section_size  }
0x9a: {  	s5 =	simm.s32 $_size__tile_overlayer_lowered;
	s6 =	simm.s32 $_tile_overlayer_lowered  }
0x9b: {  	s22 =	simm.s32 $0x1BFF;
	s21 =	sshll.u32 s6, $0x1;
	s3 =	sadd.s32 s4, s19  }
0x9c: {  	s7 =	simm.s32 $0x0;
	s20 =	sshll.u32 s5, $0x1;
	s5 =	sadd.s32 s21, s3  }
0x9d: {  	[timem:s7], [sflag:s22] =	dma.local [hbm:s5], s20  }
0x9e: {  	_ =	swait.ge [sflag:s22], s20  }
0x9f: {  	s4 =	ssub.s32 $0x0, s20;
	[sflag:s22] =	ssyncset.done $0x0  }
0xa0: {  	[sflag:s22] =	ssyncadd.s32 s4;
	_ =	sdelay $0x1  }
0xa1: {  	s23 =	simm.s32 $0x1B8B  }
0xa2: {  	_ =	swait.ge [sflag:s23], $0x1  }
0xa3: {  	[sflag:s23] =	ssyncset.done $0x0  }
0xa4: {  	s25 =	simm.s32 $0x1B8E;
	s24 =	sld [smem:$0x3FFE];
	[sflag:s23] =	ssyncadd.s32 $0xFFFFFFFF  }
0xa5: {  	s26 =	simm.s32 $execute0_lowered;
	[smem:$0x3FD2] =	sst s25  }
0xa6: {  	s5 =	sshll.u32 s26, $0x1;
	_ =	strace $0x80000046;
	[dreg:$0x1] =	wrdreg $0xFFFFFFFF  }
0xa7: {  	s28 =	simm.s32 $_size_execute0_lowered;
	s3 =	sadd.s32 s3, s5;
	[dreg:$0x0] =	wrdreg $0x0  }
0xa8: {  	s5 =	sshll.u32 s28, $0x1;
	[dreg:$0x2] =	wrdreg s3  }
0xa9: {  	[dreg:$0x3] =	wrdreg s5  }
0xaa: {  	[dreg:$0x4] =	wrdreg $0xC0  }
0xab: {  	_ =	task [dreg:s7], $0x5FFFF  }
0xac: {  	[dreg:$0x1] =	wrdreg $0xFFFFFFFF  }
0xad: {  	[dreg:$0x0] =	wrdreg $0x60  }
0xae: {  	[dreg:$0x2] =	wrdreg s2  }
0xaf: {  	[dreg:$0x3] =	wrdreg s24  }
0xb0: {  	[dreg:$0x4] =	wrdreg $0x9  }
0xb1: {  	_ =	task.clear_ibuf [dreg:s7], $0x5FFFF;
	_ =	strace $0x90000046  }
0xb2: {  	s29 =	simm.s32 $0x9;
	_ =	strace $0x80000048  }
0xb3: {  	_ =	swait.ge [sflag:s29], $0x1  }
0xb4: {  	[sflag:s29] =	ssyncadd.s32 $0xFFFFFFFF  }
0xb5: {  	_ =	strace $0x90000048  }
0xb6: {  	_ =	sfence  }
0xb7: {  	s30 =	sld [smem:$0x0];
	_ =	sdelay $0x2  }
0xb8: {  	s31 =	sshll.u32 s1, $0xD;
	s1 =	sshrl.u32 s1, $0x2  }
0xb9: {  	s3 =	sand.u32 $0x4000, s31;
	s1 =	sadd.s32 s1, s30  }
0xba: {  	s0 =	sor.u32 s3, s0;
	s1 =	sshll.u32 s1, $0x11  }
0xbb: {  	s0 =	sor.u32 s1, s0  }
0xbc: {  	s0 =	sadd.s32 $0x8F2B, s0  }
0xbd: {  	[sflag:s0] =	ssyncadd.remote.s32 $0x1  }
0xbe: {  	_ =	sfence.sel $0xFFFF  }
0xbf: {  	[dreg:$0x0] =	wrdreg $0xFFFFFFFF;
	(pc) =	sbr.abs _section_cstart, $3  }
0xc0: {  	[dreg:$0x1] =	wrdreg $0xFFFFFFFF  }
0xc1: {  	_ =	task.clear_ibuf [dreg:s7], $0x2FFFF;
	_ =	strace $0x9FFFFFFF  }
0xc2: {  	(tm) =	ssettm $0x7FFFFFFF  }
0xc3: {  	_ =	shalt  }
tec
execute0_lowered:
.L_overlay_start_1:
0x0: {  	(tag) =	ssettag $0x1  }
0x1: {  	s2 =	rddreg [dreg:$0x0]  }
0x2: {  	s4 =	rddreg [dreg:$0x1]  }
0x3: {  	s0 =	rddreg [dreg:$0x2]  }
0x4: {  	s5 =	srdreg.scid;
	s1 =	stileid.u32  }
0x5: {  	s3 =	simm.s32 $0x0;
	s15 =	simm.s32 $0x4000;
	s16 =	simm.s32 $0x8000  }
0x6: {  	s17 =	simm.s32 $0xC000;
	s18 =	simm.s32 $0x1;
	s19 =	simm.s32 $0x2  }
0x7: {  	s20 =	simm.s32 $0x3;
	s21 =	simm.s32 $0x4;
	s22 =	simm.s32 $0x10000  }
0x8: {  	s23 =	simm.s32 $0x5;
	s24 =	simm.s32 $0x10080;
	s25 =	simm.s32 $0x0  }
0x9: {  	s5 =	sand.u32 $0x1, s5;
	s6 =	sshll.u32 s1, $0x1;
	[smem:$0x7FF] =	sst s3  }
0xa: {  	s6 =	sor.u32 s5, s6;
	_ =	strace $0x80000047;
	s5 =	ssub.s32 $0x2, s5  }
0xb: {  	s7 =	sshll.u32 s6, $0x1;
	s30 =	sshrl.u32 s5, $0x1;
	s31 =	sshll.u32 s6, $0x10  }
.Ltmp0:
0xc: {  	s11 =	sshll.u32 s6, $0x13;
	s13 =	sadd.s32 s7, s4;
	(pc) =	sbr.rel .LBB2_1-.Ltmp0, $4  }
0xd: {  	s14 =	ssub.s32 s5, s30;
	s4 =	sadd.s32 s2, s31;
	s8 =	sor.u32 $0x10000, s11  }
0xe: {  	s9 =	sor.u32 $0x14000, s11;
	s10 =	sor.u32 $0x18000, s11;
	s11 =	sor.u32 $0x1C000, s11  }
0xf: {  	s5 =	sadd.s32 $0x800, s4;
	s6 =	sadd.s32 $0x1000, s4;
	s7 =	sadd.s32 $0x1800, s4  }
0x10: {  	s12 =	sadd.s32 $0xC00, s13;
	s13 =	sadd.s32 $0xE00, s13;
	s14 =	smax.u32 s14, $0x1  }
.LBB2_12:
0x11: {  	v12 =	vmin.f32 v19, v14  }
0x12: {  	v13 =	vmax.f32 v13, v15;
	v9 =	vmin.f32 v12, v9  }
0x13: {  	v8 =	vmax.f32 v13, v8;
	v7 =	vmin.f32 v9, v7  }
0x14: {  	v6 =	vmax.f32 v8, v6;
	v5 =	vmin.f32 v7, v5  }
0x15: {  	v4 =	vmax.f32 v6, v4;
	v3 =	vmin.f32 v5, v3  }
0x16: {  	v2 =	vmax.f32 v4, v2;
	v1 =	vmin.f32 v3, v1  }
0x17: {  	v0 =	vmax.f32 v2, v0;
	v1 =	vmin.f32 v1, v10  }
0x18: {  	v0 =	vmax.f32 v0, v11;
	[tilespmem:$0x10000] =	vst v1  }
0x19: {  	[tilespmem:$0x10080] =	vst v0  }
0x1a: {  	[hbm4b:s12+s3] =	stream.linear.scatter [tilespmem:s22], [sflag:$0x5], $0x10, $0x38;
	[tilespmem:$0x10100] =	vst v63  }
0x1b: {  	s25 =	sadd.s32 $0x1, s25;
	_ =	swait.ge [sflag:s23], $0x10  }
0x1c: {  	p0 =	sne.s32 s25, s14;
	[sflag:s23] =	ssyncset.done $0x0  }
.Ltmp1:
0x1d: {  	[sflag:s23] =	ssyncadd.s32 $0xFFFFFFF0;
	(pc) =	sbr.rel @!p0 .LBB2_13-.Ltmp1, $4  }
0x1e: {  	[hbm4b:s13+s3] =	stream.linear.scatter [tilespmem:s24], [sflag:$0x5], $0x10, $0x38;
	[tilespmem:$0x10100] =	vst v63  }
0x1f: {  	_ =	swait.ge [sflag:s23], $0x10  }
0x20: {  	[sflag:s23] =	ssyncset.done $0x0  }
0x21: {  	[sflag:s23] =	ssyncadd.s32 $0xFFFFFFF0  }
.LBB2_1:
0x22: {  	[tilespmem:s3], [sflag:$0x1] =	stream.linear.gather [hbm4b:s4+s3], $0x4000, $0x38;
	[tilespmem:$0x10100] =	vst v63  }
0x23: {  	v10 =	vimm.f32 $+Inf  }
0x24: {  	v11 =	vimm.f32 $-Inf;
	v0 =	vimm.f32 $-Inf;
	v1 =	vimm.f32 $+Inf;
	[tilespmem:s15], [sflag:$0x2] =	stream.linear.gather [hbm4b:s5+s3], $0x4000, $0x38;
	[tilespmem:$0x10100] =	vst v63  }
0x25: {  	v2 =	vimm.f32 $-Inf;
	v3 =	vimm.f32 $+Inf;
	v4 =	vimm.f32 $-Inf  }
0x26: {  	v5 =	vimm.f32 $+Inf;
	v6 =	vimm.f32 $-Inf;
	v7 =	vimm.f32 $+Inf;
	[tilespmem:s16], [sflag:$0x3] =	stream.linear.gather [hbm4b:s6+s3], $0x4000, $0x38;
	[tilespmem:$0x10100] =	vst v63  }
0x27: {  	v8 =	vimm.f32 $-Inf;
	v9 =	vimm.f32 $+Inf;
	v15 =	vimm.f32 $-Inf;
	s26 =	simm.s32 $0x0  }
0x28: {  	v14 =	vimm.f32 $+Inf;
	v13 =	vimm.f32 $-Inf;
	v19 =	vimm.f32 $+Inf;
	[tilespmem:s17], [sflag:$0x4] =	stream.linear.gather [hbm4b:s7+s3], $0x4000, $0x38;
	[tilespmem:$0x10100] =	vst v63  }
.LBB2_2:
0x29: {  	_ =	swait.ge [sflag:s18], $0x4000  }
0x2a: {  	[sflag:s18] =	ssyncset.done $0x0  }
0x2b: {  	s30 =	simm.s32 $0x0;
	[sflag:s18] =	ssyncadd.s32 $0xFFFFC000  }
0x2c: {  	v20 =	vld [tilespmem:s30+$0x70]  }
0x2d: {  	v21 =	vld [tilespmem:s30+$0x0]  }
0x2e: {  	v22 =	vld [tilespmem:s30+$0x10]  }
0x2f: {  	v18 =	vld [tilespmem:s30+$0x20]  }
0x30: {  	v17 =	vld [tilespmem:s30+$0x30]  }
0x31: {  	v16 =	vld [tilespmem:s30+$0x40]  }
0x32: {  	v12 =	vmin.f32 v10, v20;
	v10 =	vmax.f32 v11, v20;
	v11 =	vmin.f32 v19, v21;
	v19 =	vld [tilespmem:s30+$0x50]  }
0x33: {  	s29 =	simm.s32 $0x80;
	s28 =	simm.s32 $0x400;
	v13 =	vmax.f32 v13, v21;
	v14 =	vmin.f32 v14, v22;
	v15 =	vmax.f32 v15, v22;
	v20 =	vld [tilespmem:s30+$0x60]  }
.LBB2_3:
0x34: {  	p0 =	sne.s32 s28, $0xFE00;
	v21 =	vld [tilespmem:s29+$0x70];
	v9 =	vmin.f32 v9, v18;
	v8 =	vmax.f32 v8, v18  }
0x35: {  	v22 =	vld [tilespmem:s29+$0x0];
	v7 =	vmin.f32 v7, v17;
	v6 =	vmax.f32 v6, v17  }
0x36: {  	v23 =	vld [tilespmem:s29+$0x10];
	v5 =	vmin.f32 v5, v16;
	v4 =	vmax.f32 v4, v16  }
.Ltmp2:
0x37: {  	v18 =	vld [tilespmem:s29+$0x20];
	v3 =	vmin.f32 v3, v19;
	v2 =	vmax.f32 v2, v19;
	(pc) =	sbr.rel @p0 .LBB2_3-.Ltmp2, $4  }
0x38: {  	v17 =	vld [tilespmem:s29+$0x30];
	v1 =	vmin.f32 v1, v20;
	v0 =	vmax.f32 v0, v20  }
0x39: {  	v16 =	vld [tilespmem:s29+$0x40];
	v12 =	vmin.f32 v12, v21;
	v10 =	vmax.f32 v10, v21  }
0x3a: {  	v11 =	vmin.f32 v11, v22;
	v13 =	vmax.f32 v13, v22;
	v19 =	vld [tilespmem:s29+$0x50]  }
0x3b: {  	v14 =	vmin.f32 v14, v23;
	v15 =	vmax.f32 v15, v23;
	v20 =	vld [tilespmem:s29+$0x60];
	s29 =	sshra.s32 s28, $0x2;
	s28 =	sadd.s32 $0x200, s28  }
0x3c: {  	v21 =	vld [tilespmem:s29+$0x70]  }
0x3d: {  	v22 =	vld [tilespmem:s29+$0x0]  }
0x3e: {  	v23 =	vld [tilespmem:s29+$0x10]  }
0x3f: {  	v24 =	vld [tilespmem:s29+$0x20]  }
0x40: {  	v25 =	vld [tilespmem:s29+$0x30];
	s28 =	sshll.u32 s26, $0x10;
	p0 =	seq.s32 s26, $0x7  }
0x41: {  	v26 =	vld [tilespmem:s29+$0x40];
	s30 =	sadd.s32 @!p0 s28, s8  }
0x42: {  	v27 =	vld [tilespmem:s29+$0x50];
	s30 =	sshrl.u32 @!p0 s30, $0x3  }
0x43: {  	v28 =	vld [tilespmem:s29+$0x60];
	s29 =	sadd.s32 @!p0 s2, s30;
	s30 =	simm.s32 @!p0 $0x0  }
0x44: {  	[tilespmem:s30], [sflag:$0x1] =	stream.linear.gather @!p0 [hbm4b:s29+s30], $0x4000, $0x38;
	[tilespmem:$0x10100] =	vst v63  }
0x45: {  	v9 =	vmin.f32 v9, v18;
	v8 =	vmax.f32 v8, v18;
	_ =	swait.ge [sflag:s19], $0x4000  }
0x46: {  	v7 =	vmin.f32 v7, v17;
	v6 =	vmax.f32 v6, v17;
	v17 =	vmin.f32 v5, v16;
	[sflag:s19] =	ssyncset.done $0x0  }
0x47: {  	s31 =	simm.s32 $0x0;
	v18 =	vmax.f32 v4, v16;
	v3 =	vmin.f32 v3, v19;
	v2 =	vmax.f32 v2, v19;
	[sflag:s19] =	ssyncadd.s32 $0xFFFFC000  }
0x48: {  	v1 =	vmin.f32 v1, v20;
	v19 =	vmax.f32 v0, v20;
	v20 =	vmin.f32 v12, v21;
	v29 =	vld [tilespmem:s31+$0x4070]  }
0x49: {  	v10 =	vmax.f32 v10, v21;
	v21 =	vmin.f32 v11, v22;
	v22 =	vmax.f32 v13, v22;
	v30 =	vld [tilespmem:s31+$0x4000]  }
0x4a: {  	v14 =	vmin.f32 v14, v23;
	v15 =	vmax.f32 v15, v23;
	v4 =	vmin.f32 v9, v24;
	v23 =	vld [tilespmem:s31+$0x4010]  }
0x4b: {  	v11 =	vmax.f32 v8, v24;
	v5 =	vmin.f32 v7, v25;
	v6 =	vmax.f32 v6, v25;
	v16 =	vld [tilespmem:s31+$0x4020]  }
0x4c: {  	v12 =	vmin.f32 v17, v26;
	v7 =	vmax.f32 v18, v26;
	v8 =	vmin.f32 v3, v27;
	v17 =	vld [tilespmem:s31+$0x4030]  }
0x4d: {  	v13 =	vmax.f32 v2, v27;
	v0 =	vmin.f32 v1, v28;
	v1 =	vmax.f32 v19, v28;
	v18 =	vld [tilespmem:s31+$0x4040]  }
0x4e: {  	v19 =	vld [tilespmem:s31+$0x4050];
	v9 =	vmin.f32 v20, v29;
	v2 =	vmax.f32 v10, v29;
	v3 =	vmin.f32 v21, v30  }
0x4f: {  	s29 =	simm.s32 $0x80;
	s30 =	simm.s32 $0x400;
	v10 =	vmax.f32 v22, v30;
	v14 =	vmin.f32 v14, v23;
	v15 =	vmax.f32 v15, v23;
	v20 =	vld [tilespmem:s31+$0x4060]  }
.LBB2_5:
0x50: {  	p1 =	sne.s32 s30, $0xFE00;
	v21 =	vld [tilespmem:s29+$0x4070];
	v4 =	vmin.f32 v4, v16;
	v11 =	vmax.f32 v11, v16  }
0x51: {  	v22 =	vld [tilespmem:s29+$0x4000];
	v5 =	vmin.f32 v5, v17;
	v6 =	vmax.f32 v6, v17  }
0x52: {  	v23 =	vld [tilespmem:s29+$0x4010];
	v12 =	vmin.f32 v12, v18;
	v7 =	vmax.f32 v7, v18  }
.Ltmp3:
0x53: {  	v16 =	vld [tilespmem:s29+$0x4020];
	v8 =	vmin.f32 v8, v19;
	v13 =	vmax.f32 v13, v19;
	(pc) =	sbr.rel @p1 .LBB2_5-.Ltmp3, $4  }
0x54: {  	v17 =	vld [tilespmem:s29+$0x4030];
	v0 =	vmin.f32 v0, v20;
	v1 =	vmax.f32 v1, v20  }
0x55: {  	v18 =	vld [tilespmem:s29+$0x4040];
	v9 =	vmin.f32 v9, v21;
	v2 =	vmax.f32 v2, v21  }
0x56: {  	v3 =	vmin.f32 v3, v22;
	v10 =	vmax.f32 v10, v22;
	v19 =	vld [tilespmem:s29+$0x4050]  }
0x57: {  	v14 =	vmin.f32 v14, v23;
	v15 =	vmax.f32 v15, v23;
	v20 =	vld [tilespmem:s29+$0x4060];
	s29 =	sshra.s32 s30, $0x2;
	s30 =	sadd.s32 $0x200, s30  }
0x58: {  	v21 =	vld [tilespmem:s29+$0x4070]  }
0x59: {  	v22 =	vld [tilespmem:s29+$0x4000]  }
0x5a: {  	v23 =	vld [tilespmem:s29+$0x4010]  }
0x5b: {  	v24 =	vld [tilespmem:s29+$0x4020]  }
0x5c: {  	v25 =	vld [tilespmem:s29+$0x4030]  }
0x5d: {  	v26 =	vld [tilespmem:s29+$0x4040];
	s30 =	sadd.s32 @!p0 s28, s9  }
0x5e: {  	v27 =	vld [tilespmem:s29+$0x4050];
	s30 =	sshrl.u32 @!p0 s30, $0x3  }
0x5f: {  	v28 =	vld [tilespmem:s29+$0x4060];
	s31 =	simm.s32 @!p0 $0x4000;
	s29 =	sadd.s32 @!p0 s2, s30;
	s30 =	simm.s32 @!p0 $0x0  }
0x60: {  	[tilespmem:s31], [sflag:$0x2] =	stream.linear.gather @!p0 [hbm4b:s29+s30], $0x4000, $0x38;
	[tilespmem:$0x10100] =	vst v63  }
0x61: {  	v4 =	vmin.f32 v4, v16;
	v11 =	vmax.f32 v11, v16;
	_ =	swait.ge [sflag:s20], $0x4000  }
0x62: {  	v5 =	vmin.f32 v5, v17;
	v6 =	vmax.f32 v6, v17;
	v12 =	vmin.f32 v12, v18;
	[sflag:s20] =	ssyncset.done $0x0  }
0x63: {  	v7 =	vmax.f32 v7, v18;
	v8 =	vmin.f32 v8, v19;
	v13 =	vmax.f32 v13, v19;
	s31 =	simm.s32 $0x0;
	[sflag:s20] =	ssyncadd.s32 $0xFFFFC000  }
0x64: {  	v0 =	vmin.f32 v0, v20;
	v1 =	vmax.f32 v1, v20;
	v9 =	vmin.f32 v9, v21;
	v19 =	vld [tilespmem:s31+$0x8070]  }
0x65: {  	v2 =	vmax.f32 v2, v21;
	v3 =	vmin.f32 v3, v22;
	v10 =	vmax.f32 v10, v22;
	v20 =	vld [tilespmem:s31+$0x8000]  }
0x66: {  	v14 =	vmin.f32 v14, v23;
	v15 =	vmax.f32 v15, v23;
	v4 =	vmin.f32 v4, v24;
	v21 =	vld [tilespmem:s31+$0x8010]  }
0x67: {  	v11 =	vmax.f32 v11, v24;
	v5 =	vmin.f32 v5, v25;
	v6 =	vmax.f32 v6, v25;
	v16 =	vld [tilespmem:s31+$0x8020]  }
0x68: {  	v12 =	vmin.f32 v12, v26;
	v7 =	vmax.f32 v7, v26;
	v8 =	vmin.f32 v8, v27;
	v17 =	vld [tilespmem:s31+$0x8030]  }
0x69: {  	v13 =	vmax.f32 v13, v27;
	v0 =	vmin.f32 v0, v28;
	v1 =	vmax.f32 v1, v28;
	v18 =	vld [tilespmem:s31+$0x8040]  }
0x6a: {  	v9 =	vmin.f32 v9, v19;
	v2 =	vmax.f32 v2, v19;
	v3 =	vmin.f32 v3, v20;
	v19 =	vld [tilespmem:s31+$0x8050]  }
0x6b: {  	s29 =	simm.s32 $0x80;
	s30 =	simm.s32 $0x400;
	v10 =	vmax.f32 v10, v20;
	v14 =	vmin.f32 v14, v21;
	v15 =	vmax.f32 v15, v21;
	v20 =	vld [tilespmem:s31+$0x8060]  }
.LBB2_7:
0x6c: {  	p1 =	sne.s32 s30, $0xFE00;
	v21 =	vld [tilespmem:s29+$0x8070];
	v4 =	vmin.f32 v4, v16;
	v11 =	vmax.f32 v11, v16  }
0x6d: {  	v22 =	vld [tilespmem:s29+$0x8000];
	v5 =	vmin.f32 v5, v17;
	v6 =	vmax.f32 v6, v17  }
0x6e: {  	v23 =	vld [tilespmem:s29+$0x8010];
	v12 =	vmin.f32 v12, v18;
	v7 =	vmax.f32 v7, v18  }
.Ltmp4:
0x6f: {  	v16 =	vld [tilespmem:s29+$0x8020];
	v8 =	vmin.f32 v8, v19;
	v13 =	vmax.f32 v13, v19;
	(pc) =	sbr.rel @p1 .LBB2_7-.Ltmp4, $4  }
0x70: {  	v17 =	vld [tilespmem:s29+$0x8030];
	v0 =	vmin.f32 v0, v20;
	v1 =	vmax.f32 v1, v20  }
0x71: {  	v18 =	vld [tilespmem:s29+$0x8040];
	v9 =	vmin.f32 v9, v21;
	v2 =	vmax.f32 v2, v21  }
0x72: {  	v3 =	vmin.f32 v3, v22;
	v10 =	vmax.f32 v10, v22;
	v19 =	vld [tilespmem:s29+$0x8050]  }
0x73: {  	v14 =	vmin.f32 v14, v23;
	v15 =	vmax.f32 v15, v23;
	v20 =	vld [tilespmem:s29+$0x8060];
	s29 =	sshra.s32 s30, $0x2;
	s30 =	sadd.s32 $0x200, s30  }
0x74: {  	v21 =	vld [tilespmem:s29+$0x8070]  }
0x75: {  	v22 =	vld [tilespmem:s29+$0x8000]  }
0x76: {  	v23 =	vld [tilespmem:s29+$0x8010]  }
0x77: {  	v24 =	vld [tilespmem:s29+$0x8020]  }
0x78: {  	v25 =	vld [tilespmem:s29+$0x8030]  }
0x79: {  	v26 =	vld [tilespmem:s29+$0x8040];
	s30 =	sadd.s32 @!p0 s28, s10  }
0x7a: {  	v27 =	vld [tilespmem:s29+$0x8050];
	s30 =	sshrl.u32 @!p0 s30, $0x3  }
0x7b: {  	v28 =	vld [tilespmem:s29+$0x8060];
	s31 =	simm.s32 @!p0 $0x8000;
	s29 =	sadd.s32 @!p0 s2, s30;
	s30 =	simm.s32 @!p0 $0x0  }
0x7c: {  	[tilespmem:s31], [sflag:$0x3] =	stream.linear.gather @!p0 [hbm4b:s29+s30], $0x4000, $0x38;
	[tilespmem:$0x10100] =	vst v63  }
0x7d: {  	v4 =	vmin.f32 v4, v16;
	v11 =	vmax.f32 v11, v16;
	_ =	swait.ge [sflag:s21], $0x4000  }
0x7e: {  	v5 =	vmin.f32 v5, v17;
	v6 =	vmax.f32 v6, v17;
	v12 =	vmin.f32 v12, v18;
	[sflag:s21] =	ssyncset.done $0x0  }
0x7f: {  	v7 =	vmax.f32 v7, v18;
	v8 =	vmin.f32 v8, v19;
	v13 =	vmax.f32 v13, v19;
	s31 =	simm.s32 $0x0;
	[sflag:s21] =	ssyncadd.s32 $0xFFFFC000  }
0x80: {  	v18 =	vmin.f32 v0, v20;
	v19 =	vmax.f32 v1, v20;
	v20 =	vmin.f32 v9, v21;
	v29 =	vld [tilespmem:s31+$0xC070]  }
0x81: {  	v21 =	vmax.f32 v2, v21;
	v30 =	vmin.f32 v3, v22;
	v22 =	vmax.f32 v10, v22;
	v31 =	vld [tilespmem:s31+$0xC000]  }
0x82: {  	v14 =	vmin.f32 v14, v23;
	v15 =	vmax.f32 v15, v23;
	v0 =	vmin.f32 v4, v24;
	v23 =	vld [tilespmem:s31+$0xC010]  }
0x83: {  	v9 =	vmax.f32 v11, v24;
	v1 =	vmin.f32 v5, v25;
	v2 =	vmax.f32 v6, v25;
	v16 =	vld [tilespmem:s31+$0xC020]  }
0x84: {  	v10 =	vmin.f32 v12, v26;
	v3 =	vmax.f32 v7, v26;
	v4 =	vmin.f32 v8, v27;
	v17 =	vld [tilespmem:s31+$0xC030]  }
0x85: {  	v11 =	vmax.f32 v13, v27;
	v5 =	vmin.f32 v18, v28;
	v6 =	vmax.f32 v19, v28;
	v18 =	vld [tilespmem:s31+$0xC040]  }
0x86: {  	v19 =	vld [tilespmem:s31+$0xC050];
	v12 =	vmin.f32 v20, v29;
	v7 =	vmax.f32 v21, v29;
	v8 =	vmin.f32 v30, v31  }
0x87: {  	s29 =	simm.s32 $0x80;
	s30 =	simm.s32 $0x400;
	v13 =	vmax.f32 v22, v31;
	v14 =	vmin.f32 v14, v23;
	v15 =	vmax.f32 v15, v23;
	v20 =	vld [tilespmem:s31+$0xC060]  }
.LBB2_9:
0x88: {  	p1 =	sne.s32 s30, $0xFE00;
	v21 =	vld [tilespmem:s29+$0xC070];
	v0 =	vmin.f32 v0, v16;
	v9 =	vmax.f32 v9, v16  }
0x89: {  	v22 =	vld [tilespmem:s29+$0xC000];
	v1 =	vmin.f32 v1, v17;
	v2 =	vmax.f32 v2, v17  }
0x8a: {  	v23 =	vld [tilespmem:s29+$0xC010];
	v10 =	vmin.f32 v10, v18;
	v3 =	vmax.f32 v3, v18  }
.Ltmp5:
0x8b: {  	v16 =	vld [tilespmem:s29+$0xC020];
	v4 =	vmin.f32 v4, v19;
	v11 =	vmax.f32 v11, v19;
	(pc) =	sbr.rel @p1 .LBB2_9-.Ltmp5, $4  }
0x8c: {  	v17 =	vld [tilespmem:s29+$0xC030];
	v5 =	vmin.f32 v5, v20;
	v6 =	vmax.f32 v6, v20  }
0x8d: {  	v18 =	vld [tilespmem:s29+$0xC040];
	v12 =	vmin.f32 v12, v21;
	v7 =	vmax.f32 v7, v21  }
0x8e: {  	v8 =	vmin.f32 v8, v22;
	v13 =	vmax.f32 v13, v22;
	v19 =	vld [tilespmem:s29+$0xC050]  }
0x8f: {  	v14 =	vmin.f32 v14, v23;
	v15 =	vmax.f32 v15, v23;
	v20 =	vld [tilespmem:s29+$0xC060];
	s29 =	sshra.s32 s30, $0x2;
	s30 =	sadd.s32 $0x200, s30  }
0x90: {  	v21 =	vld [tilespmem:s29+$0xC070]  }
0x91: {  	v22 =	vld [tilespmem:s29+$0xC000]  }
0x92: {  	v23 =	vld [tilespmem:s29+$0xC010]  }
0x93: {  	v24 =	vld [tilespmem:s29+$0xC020]  }
0x94: {  	v0 =	vmin.f32 v0, v16;
	v16 =	vmax.f32 v9, v16;
	v25 =	vld [tilespmem:s29+$0xC030]  }
0x95: {  	v26 =	vld [tilespmem:s29+$0xC040];
	v1 =	vmin.f32 v1, v17;
	v2 =	vmax.f32 v2, v17;
	v17 =	vmin.f32 v10, v18  }
0x96: {  	v28 =	vld [tilespmem:s29+$0xC050];
	v3 =	vmax.f32 v3, v18;
	v18 =	vmin.f32 v4, v19;
	v27 =	vmax.f32 v11, v19  }
0x97: {  	v29 =	vmin.f32 v5, v20;
	v20 =	vmax.f32 v6, v20;
	v10 =	vmin.f32 v12, v21;
	v12 =	vld [tilespmem:s29+$0xC060]  }
.Ltmp6:
0x98: {  	v11 =	vmax.f32 v7, v21;
	v19 =	vmin.f32 v8, v22;
	v13 =	vmax.f32 v13, v22;
	(pc) =	sbr.rel @p0 .LBB2_12-.Ltmp6, $4  }
0x99: {  	v14 =	vmin.f32 v14, v23;
	v15 =	vmax.f32 v15, v23;
	v9 =	vmin.f32 v0, v24  }
0x9a: {  	v8 =	vmax.f32 v16, v24;
	v7 =	vmin.f32 v1, v25;
	v6 =	vmax.f32 v2, v25  }
0x9b: {  	v5 =	vmin.f32 v17, v26;
	v4 =	vmax.f32 v3, v26;
	v3 =	vmin.f32 v18, v28  }
0x9c: {  	v2 =	vmax.f32 v27, v28;
	v1 =	vmin.f32 v29, v12;
	v0 =	vmax.f32 v20, v12  }
.Ltmp7:
0x9d: {  	(pc) =	sbr.rel .LBB2_2-.Ltmp7, $4  }
0x9e: {  	s28 =	sadd.s32 s28, s11  }
0x9f: {  	s28 =	sshrl.u32 s28, $0x3  }
0xa0: {  	s26 =	sadd.s32 $0x1, s26;
	s28 =	sadd.s32 s2, s28  }
0xa1: {  	[tilespmem:s17], [sflag:$0x4] =	stream.linear.gather [hbm4b:s28+s3], $0x4000, $0x38;
	[tilespmem:$0x10100] =	vst v63  }
.LBB2_13:
0xa2: {  	_ =	sfence.sel $0x180000  }
0xa3: {  	[bflag:$0x0] =	sbarrier.arrive $0xFFFF  }
0xa4: {  	p0 =	sne.s32 s1, $0x0;
	_ =	strace $0x90000047  }
0xa5: {  	s0 =	sadd.s32 @!p0 $0x100000, s0;
	[bflag:$0x2] =	sbarrier.arrive $0xFFFF  }
0xa6: {  	[sflag:s0] =	ssyncadd.tile.s32 @!p0 $0x1;
	_ =	shalt  }
.Lfunc_end2:
_tile_overlayer_lowered:
.L_overlay_start_2:
0xa7: {  	(tag) =	ssettag $0x2  }
0xa8: {  	s0 =	rddreg [dreg:$0x0];
	s2 =	stileid.u32  }
0xa9: {  	s1 =	rddreg [dreg:$0x1];
	p0 =	sne.s32 s2, $0x0  }
0xaa: {  	s3 =	rddreg [dreg:$0x2];
	[bflag:$0x3] =	sbarrier.arrive $0xFFFF;
	s2 =	simm.s32 @!p0 $0x1C05  }
0xab: {  	[timem:s3], [sflag:s2] =	dma.local @!p0 [hbm:s0], s1  }
0xac: {  	s0 =	simm.s32 @!p0 $0x5  }
0xad: {  	_ =	swait.ge @!p0 [sflag:s0], s1  }
0xae: {  	s1 =	ssub.s32 @!p0 $0x0, s1;
	[sflag:s0] =	ssyncset.done @!p0 $0x0  }
0xaf: {  	[sflag:s0] =	ssyncadd.s32 @!p0 s1  }
0xb0: {  	[bflag:$0x3] =	sbarrier.arrive $0xFFFF  }
0xb1: {  	_ =	shalt  }

// kernel: kernel.7.cloned.1.call-start
scs
__scs_entry_jumppad:
0x0: {  	(pc) =	sbr.rel $0x88, $3  }
0x1: {  	(tag) =	ssettag $0x0;
	lr =	simm.s32 $0x1  }
0x2: {  	[smem:$0x3FA0] =	sst lr;
	_ =	strace $0xD0000000  }
0x3: {  	_ = 	snop  }
0x4: {  	_ = 	snop  }
0x5: {  	_ = 	snop  }
0x6: {  	_ = 	snop  }
0x7: {  	_ = 	snop  }
__scs_overlays_trampoline_lowered:
0x8: {  	[smem:$0x3FAF] =	sst s0  }
0x9: {  	[smem:$0x3FB0] =	sst s1  }
0xa: {  	[smem:$0x3FB1] =	sst s2  }
0xb: {  	[smem:$0x3FB2] =	sst s3  }
0xc: {  	[smem:$0x3FB3] =	sst s4  }
0xd: {  	[smem:$0x3FB4] =	sst s5  }
0xe: {  	[smem:$0x3FB5] =	sst s6  }
0xf: {  	[smem:$0x3FB6] =	sst s7  }
0x10: {  	[smem:$0x3FB7] =	sst s8  }
0x11: {  	[smem:$0x3FB8] =	sst s9;
	s0 =	simm.s32 @!p0 $0x0  }
0x12: {  	s1 =	sld [smem:$0x3F9E];
	s0 =	simm.s32 @p0 $0x1  }
0x13: {  	[smem:$0x3FB9] =	sst s0;
	s0 =	simm.s32 @!p1 $0x0  }
0x14: {  	s2 =	sld [smem:$0x3F9D];
	s0 =	simm.s32 @p1 $0x1  }
0x15: {  	[smem:$0x3FBA] =	sst s0;
	s0 =	simm.s32 @!p2 $0x0  }
0x16: {  	s3 =	sld [smem:$0x3FDB];
	s0 =	simm.s32 @p2 $0x1  }
0x17: {  	s4 =	simm.s32 $0x1BF5;
	[smem:$0x3FBC] =	sst s0  }
0x18: {  	s0 =	sld [smem:$0x3F9F];
	_ =	swait.ge [sflag:s4], $0x0  }
0x19: {  	s7 =	sld [smem:$0x3FA0]  }
0x1a: {  	s8 =	sadd.s32 $0xFFFFE003, lr  }
0x1b: {  	s9 =	sadd.s32 $0xFFFFFEF7, lr;
	s5 =	simm.s32 $0xFFFFFFFF;
	p2 =	slt.u32 s8, $0xFFFFF086  }
0x1c: {  	p1 =	slt.u32 s9, $0xF7A;
	s5 =	simm.s32 @!p2 $0x0  }
0x1d: {  	s5 =	simm.s32 @p1 $0x1;
	p0 =	seq.s32 s7, s2  }
0x1e: {  	s7 =	smul.u32 @!p0 $0xF7A, s2;
	p2 =	seq.s32 @!p0 s5, $0x0  }
0x1f: {  	s9 =	smul.u32 $0xF7A, s1;
	s8 =	simm.s32 @!p0 $0x1BF5;
	p2 =	por !p2, p0  }
0x20: {  	[sflag:s8] =	ssyncset.s32 @!p0 $0xFFFFF086;
	s6 =	sadd.s32 @!p0 s3, s7;
	s7 =	simm.s32 @!p0 $0x108  }
0x21: {  	s3 =	sadd.s32 s3, s9;
	s6 =	sadd.s32 @!p0 $0x88, s6;
	s7 =	simm.s32 @p2 $0x1082  }
0x22: {  	[simem:s7], [sflag:s8] =	dma.local @!p0 [hbm:s6], $0xF7A  }
0x23: {  	s9 =	sor.u32 $0xD0000000, s2;
	s6 =	simm.s32 $0x108;
	_ =	swait.ge @!p0 [sflag:s8], $0x0  }
0x24: {  	s3 =	sadd.s32 $0x88, s3;
	s6 =	simm.s32 @!p1 $0x1082;
	[sflag:s4] =	ssyncset.s32 $0xFFFFF086  }
0x25: {  	[simem:s6], [sflag:s4] =	dma.local [hbm:s3], $0xF7A  }
0x26: {  	[smem:$0x3FA0] =	sst s1;
	(tag) =	ssettag s2;
	_ =	strace s9  }
0x27: {  	s1 =	sld [smem:$0x3FB0]  }
0x28: {  	s2 =	sld [smem:$0x3FB1]  }
0x29: {  	s4 =	sld [smem:$0x3FB3]  }
0x2a: {  	p0 =	seq.s32 s5, $0x0;
	s5 =	sld [smem:$0x3FB4]  }
0x2b: {  	s6 =	sld [smem:$0x3FB5]  }
0x2c: {  	s7 =	sld [smem:$0x3FB6]  }
0x2d: {  	s3 =	simm.s32 $0x108;
	s8 =	sld [smem:$0x3FB7]  }
0x2e: {  	s3 =	simm.s32 @!p0 $0x1082;
	s9 =	sld [smem:$0x3FB8]  }
0x2f: {  	lr =	sadd.s32 s0, s3;
	s0 =	sld [smem:$0x3FAF]  }
0x30: {  	s3 =	sld [smem:$0x3FB2]  }
0x31: {  	[smem:$0x3FBB] =	sst s10  }
0x32: {  	s10 =	sld [smem:$0x3FB9];
	_ =	sdelay $0x3  }
0x33: {  	p0 =	seq.s32 s10, $0x1;
	s10 =	sld [smem:$0x3FBB];
	_ =	sdelay $0x3  }
0x34: {  	[smem:$0x3FBB] =	sst s10  }
0x35: {  	s10 =	sld [smem:$0x3FBA];
	_ =	sdelay $0x3  }
0x36: {  	p1 =	seq.s32 s10, $0x1;
	s10 =	sld [smem:$0x3FBB];
	_ =	sdelay $0x3  }
0x37: {  	[smem:$0x3FBB] =	sst s10  }
0x38: {  	s10 =	sld [smem:$0x3FBC]  }
0x39: {  	_ = 	snop;
	(pc) =	sbr.ind lr, $3  }
0x3a: {  	_ = 	snop  }
0x3b: {  	_ = 	snop  }
0x3c: {  	p2 =	seq.s32 s10, $0x1;
	s10 =	sld [smem:$0x3FBB]  }
0x3d: {  	_ =	shalt  }
0x3e: {  	_ =	shalt  }
0x3f: {  	_ =	shalt  }
0x40: {  	_ =	shalt  }
0x41: {  	_ =	shalt  }
0x42: {  	_ =	shalt  }
0x43: {  	_ =	shalt  }
0x44: {  	_ =	shalt  }
0x45: {  	_ =	shalt  }
0x46: {  	_ =	shalt  }
0x47: {  	_ =	shalt  }
0x48: {  	_ =	shalt  }
0x49: {  	_ =	shalt  }
0x4a: {  	_ =	shalt  }
0x4b: {  	_ =	shalt  }
0x4c: {  	_ =	shalt  }
0x4d: {  	_ =	shalt  }
0x4e: {  	_ =	shalt  }
0x4f: {  	_ =	shalt  }
0x50: {  	_ =	shalt  }
0x51: {  	_ =	shalt  }
0x52: {  	_ =	shalt  }
0x53: {  	_ =	shalt  }
0x54: {  	_ =	shalt  }
0x55: {  	_ =	shalt  }
0x56: {  	_ =	shalt  }
0x57: {  	_ =	shalt  }
0x58: {  	_ =	shalt  }
0x59: {  	_ =	shalt  }
0x5a: {  	_ =	shalt  }
0x5b: {  	_ =	shalt  }
0x5c: {  	_ =	shalt  }
0x5d: {  	_ =	shalt  }
0x5e: {  	_ =	shalt  }
0x5f: {  	_ =	shalt  }
0x60: {  	_ =	shalt  }
0x61: {  	_ =	shalt  }
0x62: {  	_ =	shalt  }
0x63: {  	_ =	shalt  }
0x64: {  	_ =	shalt  }
0x65: {  	_ =	shalt  }
0x66: {  	_ =	shalt  }
0x67: {  	_ =	shalt  }
0x68: {  	_ =	shalt  }
0x69: {  	_ =	shalt  }
0x6a: {  	_ =	shalt  }
0x6b: {  	_ =	shalt  }
0x6c: {  	_ =	shalt  }
0x6d: {  	_ =	shalt  }
0x6e: {  	_ =	shalt  }
0x6f: {  	_ =	shalt  }
0x70: {  	_ =	shalt  }
0x71: {  	_ =	shalt  }
0x72: {  	_ =	shalt  }
0x73: {  	_ =	shalt  }
0x74: {  	_ =	shalt  }
0x75: {  	_ =	shalt  }
0x76: {  	_ =	shalt  }
0x77: {  	_ =	shalt  }
0x78: {  	_ =	shalt  }
0x79: {  	_ =	shalt  }
0x7a: {  	_ =	shalt  }
0x7b: {  	_ =	shalt  }
0x7c: {  	_ =	shalt  }
0x7d: {  	_ =	shalt  }
0x7e: {  	_ =	shalt  }
0x7f: {  	_ =	shalt  }
0x80: {  	_ =	shalt  }
0x81: {  	_ =	shalt  }
0x82: {  	_ =	shalt  }
0x83: {  	_ =	shalt  }
0x84: {  	_ =	shalt  }
0x85: {  	_ =	shalt  }
0x86: {  	_ =	shalt  }
0x87: {  	_ =	shalt  }
.Lfunc_end0:
.L_simem_size_0:
called_computation.1_lowered:
.L_overlay_start_0:
0x88: {  	s2 =	sld [smem:$0x3FD9]  }
0x89: {  	s3 =	sld [smem:$0x3FFE];
	_ =	sdelay $0x1  }
0x8a: {  	s1 =	srdreg.scid  }
0x8b: {  	s0 =	sand.u32 $0x1, s1  }
0x8c: {  	s17 =	sshll.u32 s0, $0xA;
	s2 =	sadd.s32 s3, s2  }
0x8d: {  	s2 =	sadd.s32 s2, s17  }
0x8e: {  	[smem:$0x3FC7] =	sst s2  }
0x8f: {  	_ = 	snop  }
0x90: {  	s2 =	sld [smem:$0x3FC9]  }
0x91: {  	s18 =	sld [smem:$0x3FD0];
	(tm) =	ssettm $0x1  }
0x92: {  	s4 =	sld [smem:$0x3FFB];
	_ =	sdelay $0x3  }
0x93: {  	_ =	strace s4  }
0x94: {  	s4 =	sld [smem:$0x3FFC];
	_ =	sdelay $0x3  }
0x95: {  	_ =	strace s4  }
0x96: {  	s4 =	sld [smem:$0x3FFD];
	_ =	sdelay $0x3  }
0x97: {  	_ =	strace s4  }
0x98: {  	_ =	strace $0x8FFFFFFF  }
0x99: {  	s19 =	sld [smem:$0x3FDB];
	_ =	sdelay $0x1  }
0x9a: {  	s5 =	simm.s32 $_scs_section_size  }
0x9b: {  	s6 =	simm.s32 $_size__tile_overlayer_lowered;
	s7 =	simm.s32 $_tile_overlayer_lowered  }
0x9c: {  	s22 =	simm.s32 $0x1BFF;
	s21 =	sshll.u32 s7, $0x1;
	s4 =	sadd.s32 s5, s19  }
0x9d: {  	s8 =	simm.s32 $0x0;
	s20 =	sshll.u32 s6, $0x1;
	s6 =	sadd.s32 s21, s4  }
0x9e: {  	[timem:s8], [sflag:s22] =	dma.local [hbm:s6], s20  }
0x9f: {  	_ =	swait.ge [sflag:s22], s20  }
0xa0: {  	s5 =	ssub.s32 $0x0, s20;
	[sflag:s22] =	ssyncset.done $0x0  }
0xa1: {  	[sflag:s22] =	ssyncadd.s32 s5;
	_ =	sdelay $0x1  }
0xa2: {  	s23 =	simm.s32 $0x1B8B  }
0xa3: {  	_ =	swait.ge [sflag:s23], $0x1  }
0xa4: {  	[sflag:s23] =	ssyncset.done $0x0  }
0xa5: {  	s25 =	simm.s32 $0x1B8E;
	s24 =	sld [smem:$0x3FFE];
	[sflag:s23] =	ssyncadd.s32 $0xFFFFFFFF  }
0xa6: {  	s26 =	simm.s32 $execute0_lowered;
	[smem:$0x3FD2] =	sst s25  }
0xa7: {  	s6 =	sshll.u32 s26, $0x1;
	_ =	strace $0x80000049;
	[dreg:$0x1] =	wrdreg $0xFFFFFFFF  }
0xa8: {  	s28 =	simm.s32 $_size_execute0_lowered;
	s4 =	sadd.s32 s4, s6;
	[dreg:$0x0] =	wrdreg $0x0  }
0xa9: {  	s6 =	sshll.u32 s28, $0x1;
	[dreg:$0x2] =	wrdreg s4  }
0xaa: {  	[dreg:$0x3] =	wrdreg s6  }
0xab: {  	[dreg:$0x4] =	wrdreg $0xC0  }
0xac: {  	_ =	task [dreg:s8], $0x5FFFF  }
0xad: {  	[dreg:$0x1] =	wrdreg $0xFFFFFFFF  }
0xae: {  	[dreg:$0x0] =	wrdreg $0x60  }
0xaf: {  	[dreg:$0x2] =	wrdreg s2  }
0xb0: {  	[dreg:$0x3] =	wrdreg s24  }
0xb1: {  	[dreg:$0x4] =	wrdreg s18  }
0xb2: {  	[dreg:$0x5] =	wrdreg $0x9  }
0xb3: {  	_ =	task.clear_ibuf [dreg:s8], $0x6FFFF;
	_ =	strace $0x90000049  }
0xb4: {  	s29 =	simm.s32 $0x9;
	_ =	strace $0x8000004B  }
0xb5: {  	_ =	swait.ge [sflag:s29], $0x1  }
0xb6: {  	[sflag:s29] =	ssyncadd.s32 $0xFFFFFFFF  }
0xb7: {  	_ =	strace $0x9000004B  }
0xb8: {  	_ =	sfence  }
0xb9: {  	s30 =	sld [smem:$0x0];
	_ =	sdelay $0x2  }
0xba: {  	s31 =	sshll.u32 s1, $0xD;
	s1 =	sshrl.u32 s1, $0x2  }
0xbb: {  	s3 =	sand.u32 $0x4000, s31;
	s1 =	sadd.s32 s1, s30  }
0xbc: {  	s0 =	sor.u32 s3, s0;
	s1 =	sshll.u32 s1, $0x11  }
0xbd: {  	s0 =	sor.u32 s1, s0  }
0xbe: {  	s0 =	sadd.s32 $0x8F2B, s0  }
0xbf: {  	[sflag:s0] =	ssyncadd.remote.s32 $0x1  }
0xc0: {  	_ =	sfence.sel $0xFFFF  }
0xc1: {  	[dreg:$0x0] =	wrdreg $0xFFFFFFFF;
	(pc) =	sbr.abs _section_cstart, $3  }
0xc2: {  	[dreg:$0x1] =	wrdreg $0xFFFFFFFF  }
0xc3: {  	_ =	task.clear_ibuf [dreg:s8], $0x2FFFF;
	_ =	strace $0x9FFFFFFF  }
0xc4: {  	(tm) =	ssettm $0x7FFFFFFF  }
0xc5: {  	_ =	shalt  }
tec
execute0_lowered:
.L_overlay_start_1:
0x0: {  	(tag) =	ssettag $0x1  }
0x1: {  	s1 =	rddreg [dreg:$0x0]  }
0x2: {  	s0 =	rddreg [dreg:$0x1]  }
0x3: {  	s3 =	rddreg [dreg:$0x2];
	s2 =	srdreg.scid  }
0x4: {  	s4 =	simm.s32 $0x0;
	s5 =	stileid.u32;
	s17 =	simm.s32 $0x500  }
0x5: {  	s20 =	simm.s32 $0xC500;
	s21 =	simm.s32 $0x7;
	s28 =	simm.s32 $0x14500  }
0x6: {  	s29 =	simm.s32 $0x3;
	s30 =	simm.s32 $0x5;
	s31 =	simm.s32 $0x4  }
0x7: {  	s2 =	sand.u32 $0x1, s2;
	[smem:$0x7FF] =	sst s4;
	s5 =	sshll.u32 s5, $0x14  }
0x8: {  	s23 =	sadd.s32 $0xC00, s0;
	s0 =	sadd.s32 $0xE00, s0;
	s6 =	sshll.u32 s2, $0x13  }
0x9: {  	_ =	strace $0x8000004A;
	[dreg:$0x4] =	wrdreg s23;
	s2 =	ssub.s32 $0x2, s2  }
0xa: {  	[dreg:$0x5] =	wrdreg s0;
	s5 =	sor.u32 s6, s5;
	s25 =	sshrl.u32 s2, $0x1  }
0xb: {  	s23 =	simm.s32 $0x1;
	s24 =	sshrl.u32 s5, $0x3;
	s0 =	ssub.s32 s2, s25  }
.Ltmp0:
0xc: {  	s12 =	sor.u32 $0x10000, s5;
	s13 =	sor.u32 $0x14000, s5;
	(pc) =	sbr.rel .LBB2_1-.Ltmp0, $4  }
0xd: {  	s14 =	sor.u32 $0x18000, s5;
	s15 =	sor.u32 $0x1C000, s5;
	s25 =	simm.s32 $0x2  }
0xe: {  	s8 =	sadd.s32 s1, s24;
	s16 =	smax.u32 s0, $0x1;
	s24 =	simm.s32 $0x10500  }
0xf: {  	s0 =	simm.s32 $0x0;
	s26 =	sadd.s32 $0x800, s8;
	s10 =	sadd.s32 $0x1000, s8  }
0x10: {  	s11 =	sadd.s32 $0x1800, s8;
	[dreg:$0x6] =	wrdreg s26;
	s26 =	simm.s32 $0x6  }
.LBB2_16:
0x11: {  	s0 =	sadd.s32 $0x1, s0  }
0x12: {  	_ =	swait.ge [sflag:s30], $0x4000;
	p0 =	sne.s32 s0, s16  }
.Ltmp1:
0x13: {  	[sflag:s30] =	ssyncset.done $0x0;
	(pc) =	sbr.rel @!p0 .LBB2_17-.Ltmp1, $4  }
0x14: {  	[sflag:s30] =	ssyncadd.s32 $0xFFFFC000  }
0x15: {  	_ =	swait.ge [sflag:s26], $0x4000  }
0x16: {  	[sflag:s26] =	ssyncset.done $0x0  }
0x17: {  	[sflag:s26] =	ssyncadd.s32 $0xFFFFC000  }
.LBB2_1:
0x18: {  	[tilespmem:s17], [sflag:$0x1] =	stream.linear.gather [hbm4b:s8+s4], $0x4000, $0x38;
	[tilespmem:$0x18500] =	vst v63  }
0x19: {  	s2 =	rddreg [dreg:$0x6];
	s6 =	simm.s32 $0x4500  }
0x1a: {  	[tilespmem:s6], [sflag:$0x2] =	stream.linear.gather [hbm4b:s2+s4], $0x4000, $0x38;
	[tilespmem:$0x18500] =	vst v63  }
0x1b: {  	s9 =	simm.s32 $0x8500  }
0x1c: {  	[tilespmem:s9], [sflag:$0x3] =	stream.linear.gather [hbm4b:s10+s4], $0x4000, $0x38;
	[tilespmem:$0x18500] =	vst v63  }
0x1d: {  	_ = 	snop  }
0x1e: {  	[tilespmem:s20], [sflag:$0x4] =	stream.linear.gather [hbm4b:s11+s4], $0x4000, $0x38;
	[tilespmem:$0x18500] =	vst v63  }
0x1f: {  	s18 =	rddreg [dreg:$0x4]  }
0x20: {  	[tilespmem:s4], [sflag:$0x7] =	stream.linear.gather [hbm4b:s18+s4], $0x200, $0x38;
	[tilespmem:$0x18500] =	vst v63  }
0x21: {  	_ =	swait.ge [sflag:s21], $0x200  }
0x22: {  	[sflag:s21] =	ssyncset.done $0x0  }
0x23: {  	s22 =	simm.s32 $0x200;
	s19 =	rddreg [dreg:$0x5];
	[sflag:s21] =	ssyncadd.s32 $0xFFFFFE00  }
0x24: {  	[tilespmem:s22], [sflag:$0x7] =	stream.linear.gather [hbm4b:s19+s4], $0x200, $0x38;
	[tilespmem:$0x18500] =	vst v63  }
0x25: {  	_ =	swait.ge [sflag:s21], $0x200  }
0x26: {  	[sflag:s21] =	ssyncset.done $0x0  }
0x27: {  	[sflag:s21] =	ssyncadd.s32 $0xFFFFFE00  }
0x28: {  	v0 =	vld [tilespmem:$0x0]  }
0x29: {  	v1 =	vld [tilespmem:$0x200]  }
0x2a: {  	v2 =	vld [tilespmem:$0x10]  }
0x2b: {  	v3 =	vld [tilespmem:$0x210]  }
0x2c: {  	v4 =	vld [tilespmem:$0x20]  }
0x2d: {  	v5 =	vld [tilespmem:$0x220]  }
0x2e: {  	v6 =	vld [tilespmem:$0x30]  }
0x2f: {  	v7 =	vld [tilespmem:$0x230]  }
0x30: {  	v8 =	vld [tilespmem:$0x40]  }
0x31: {  	v9 =	vld [tilespmem:$0x240]  }
0x32: {  	v10 =	vld [tilespmem:$0x50]  }
0x33: {  	v11 =	vld [tilespmem:$0x250]  }
0x34: {  	v12 =	vld [tilespmem:$0x60]  }
0x35: {  	v13 =	vld [tilespmem:$0x260]  }
0x36: {  	v14 =	vld [tilespmem:$0x70]  }
0x37: {  	v15 =	vld [tilespmem:$0x270]  }
0x38: {  	v16 =	vld [tilespmem:$0x80]  }
0x39: {  	v17 =	vld [tilespmem:$0x280]  }
0x3a: {  	v18 =	vld [tilespmem:$0x90]  }
0x3b: {  	v19 =	vld [tilespmem:$0x290]  }
0x3c: {  	v20 =	vld [tilespmem:$0xA0]  }
0x3d: {  	v21 =	vld [tilespmem:$0x2A0]  }
0x3e: {  	v22 =	vld [tilespmem:$0xB0]  }
0x3f: {  	v23 =	vld [tilespmem:$0x2B0]  }
0x40: {  	v24 =	vld [tilespmem:$0xC0]  }
0x41: {  	v25 =	vld [tilespmem:$0x2C0]  }
0x42: {  	v26 =	vld [tilespmem:$0xD0]  }
0x43: {  	v27 =	vld [tilespmem:$0x2D0]  }
0x44: {  	v28 =	vld [tilespmem:$0xE0]  }
0x45: {  	v29 =	vld [tilespmem:$0x2E0]  }
0x46: {  	v30 =	vld [tilespmem:$0xF0]  }
0x47: {  	v31 =	vld [tilespmem:$0x2F0]  }
0x48: {  	v32 =	vld [tilespmem:$0x100]  }
0x49: {  	v33 =	vld [tilespmem:$0x300]  }
0x4a: {  	v34 =	vld [tilespmem:$0x110]  }
0x4b: {  	v35 =	vld [tilespmem:$0x310];
	v0 =	vmin.f32 v0, v2  }
0x4c: {  	v55 =	vld [tilespmem:$0x320];
	v0 =	vmin.f32 v0, v4  }
0x4d: {  	v56 =	vld [tilespmem:$0x330];
	v0 =	vmin.f32 v0, v6  }
0x4e: {  	v57 =	vld [tilespmem:$0x140];
	v1 =	vmax.f32 v1, v3;
	v0 =	vmin.f32 v0, v8  }
0x4f: {  	v58 =	vld [tilespmem:$0x340];
	v1 =	vmax.f32 v1, v5;
	v0 =	vmin.f32 v0, v10  }
0x50: {  	v59 =	vld [tilespmem:$0x150];
	v1 =	vmax.f32 v1, v7;
	v0 =	vmin.f32 v0, v12  }
0x51: {  	v60 =	vld [tilespmem:$0x350];
	v1 =	vmax.f32 v1, v9;
	v0 =	vmin.f32 v0, v14  }
0x52: {  	v61 =	vld [tilespmem:$0x160];
	v1 =	vmax.f32 v1, v11;
	v0 =	vmin.f32 v0, v16  }
0x53: {  	v62 =	vld [tilespmem:$0x360];
	v1 =	vmax.f32 v1, v13;
	v0 =	vmin.f32 v0, v18  }
0x54: {  	v63 =	vld [tilespmem:$0x170];
	v1 =	vmax.f32 v1, v15;
	v0 =	vmin.f32 v0, v20  }
0x55: {  	v36 =	vld [tilespmem:$0x1E0];
	v1 =	vmax.f32 v1, v17;
	v0 =	vmin.f32 v0, v22  }
0x56: {  	v37 =	vld [tilespmem:$0x1F0];
	v1 =	vmax.f32 v1, v19;
	v0 =	vmin.f32 v0, v24  }
0x57: {  	v2 =	vld [tilespmem:$0x120];
	v1 =	vmax.f32 v1, v21;
	v0 =	vmin.f32 v0, v26  }
0x58: {  	v3 =	vld [tilespmem:$0x130];
	v1 =	vmax.f32 v1, v23;
	v0 =	vmin.f32 v0, v28  }
0x59: {  	v22 =	vld [tilespmem:$0x370];
	v1 =	vmax.f32 v1, v25;
	v0 =	vmin.f32 v0, v30  }
0x5a: {  	v24 =	vld [tilespmem:$0x180];
	v1 =	vmax.f32 v1, v27;
	v0 =	vmin.f32 v0, v32  }
0x5b: {  	v26 =	vld [tilespmem:$0x380];
	v1 =	vmax.f32 v1, v29;
	v0 =	vmin.f32 v0, v34  }
0x5c: {  	v28 =	vld [tilespmem:$0x190];
	v1 =	vmax.f32 v1, v31;
	v0 =	vmin.f32 v0, v2  }
0x5d: {  	v29 =	vld [tilespmem:$0x390];
	v1 =	vmax.f32 v1, v33;
	v0 =	vmin.f32 v0, v3  }
0x5e: {  	v30 =	vld [tilespmem:$0x1A0];
	v1 =	vmax.f32 v1, v35;
	v0 =	vmin.f32 v0, v57  }
0x5f: {  	v32 =	vld [tilespmem:$0x1C0];
	v1 =	vmax.f32 v1, v55;
	v0 =	vmin.f32 v0, v59  }
0x60: {  	v3 =	vld [tilespmem:$0x1B0];
	v1 =	vmax.f32 v1, v56;
	v0 =	vmin.f32 v0, v61  }
0x61: {  	v34 =	vld [tilespmem:$0x1D0];
	v1 =	vmax.f32 v1, v58;
	v0 =	vmin.f32 v0, v63  }
0x62: {  	v2 =	vld [tilespmem:$0x3A0];
	v1 =	vmax.f32 v1, v60;
	v0 =	vmin.f32 v0, v24  }
0x63: {  	v31 =	vld [tilespmem:$0x3B0];
	v1 =	vmax.f32 v1, v62;
	v0 =	vmin.f32 v0, v28  }
0x64: {  	v33 =	vld [tilespmem:$0x3C0];
	v1 =	vmax.f32 v1, v22;
	v0 =	vmin.f32 v0, v30  }
0x65: {  	v35 =	vld [tilespmem:$0x3D0];
	v1 =	vmax.f32 v1, v26;
	v0 =	vmin.f32 v0, v3  }
0x66: {  	v1 =	vmax.f32 v1, v29;
	v3 =	vld [tilespmem:$0x3E0];
	v0 =	vmin.f32 v0, v32  }
0x67: {  	v1 =	vmax.f32 v1, v2;
	v2 =	vld [tilespmem:$0x3F0];
	v0 =	vmin.f32 v0, v34  }
0x68: {  	v1 =	vmax.f32 v1, v31;
	v0 =	vmin.f32 v0, v36  }
0x69: {  	v1 =	vmax.f32 v1, v33;
	v0 =	vmin.f32 v0, v37  }
0x6a: {  	v1 =	vmax.f32 v1, v35;
	[tilespmem:$0x400] =	vst v0  }
0x6b: {  	v1 =	vmax.f32 v1, v3;
	[tilespmem:$0x410] =	vst v0  }
0x6c: {  	v1 =	vmax.f32 v1, v2;
	v2 =	vld [tilespmem:$0x401]  }
0x6d: {  	v38 =	vld [tilespmem:$0x402]  }
0x6e: {  	v40 =	vld [tilespmem:$0x403]  }
0x6f: {  	v42 =	vld [tilespmem:$0x404]  }
0x70: {  	v44 =	vld [tilespmem:$0x405]  }
0x71: {  	v46 =	vld [tilespmem:$0x406]  }
0x72: {  	v48 =	vld [tilespmem:$0x407]  }
0x73: {  	v50 =	vld [tilespmem:$0x408]  }
0x74: {  	v52 =	vld [tilespmem:$0x409]  }
0x75: {  	v54 =	vld [tilespmem:$0x40A]  }
0x76: {  	v56 =	vld [tilespmem:$0x40C]  }
0x77: {  	v58 =	vld [tilespmem:$0x40D]  }
0x78: {  	v60 =	vld [tilespmem:$0x40E];
	[tilespmem:$0x480] =	vst v1  }
0x79: {  	v62 =	vld [tilespmem:$0x40F];
	[tilespmem:$0x490] =	vst v1  }
0x7a: {  	v3 =	vld [tilespmem:$0x481]  }
0x7b: {  	v39 =	vld [tilespmem:$0x482]  }
0x7c: {  	v41 =	vld [tilespmem:$0x483]  }
0x7d: {  	v43 =	vld [tilespmem:$0x484]  }
0x7e: {  	v45 =	vld [tilespmem:$0x485]  }
0x7f: {  	v47 =	vld [tilespmem:$0x486]  }
0x80: {  	v49 =	vld [tilespmem:$0x487];
	v0 =	vmin.f32 v0, v2;
	v1 =	vmax.f32 v1, v3  }
0x81: {  	v51 =	vld [tilespmem:$0x488];
	v0 =	vmin.f32 v0, v38;
	v1 =	vmax.f32 v1, v39  }
0x82: {  	v53 =	vld [tilespmem:$0x489];
	v0 =	vmin.f32 v0, v40;
	v1 =	vmax.f32 v1, v41  }
0x83: {  	v55 =	vld [tilespmem:$0x48A];
	v0 =	vmin.f32 v0, v42;
	v1 =	vmax.f32 v1, v43  }
0x84: {  	v2 =	vld [tilespmem:$0x40B];
	v0 =	vmin.f32 v0, v44;
	v1 =	vmax.f32 v1, v45  }
0x85: {  	v3 =	vld [tilespmem:$0x48B];
	v0 =	vmin.f32 v0, v46;
	v1 =	vmax.f32 v1, v47  }
0x86: {  	v57 =	vld [tilespmem:$0x48C];
	v0 =	vmin.f32 v0, v48;
	v1 =	vmax.f32 v1, v49  }
0x87: {  	v59 =	vld [tilespmem:$0x48D];
	v0 =	vmin.f32 v0, v50;
	v1 =	vmax.f32 v1, v51  }
0x88: {  	v61 =	vld [tilespmem:$0x48E];
	v0 =	vmin.f32 v0, v52;
	v1 =	vmax.f32 v1, v53  }
0x89: {  	v63 =	vld [tilespmem:$0x48F];
	v0 =	vmin.f32 v0, v54;
	v1 =	vmax.f32 v1, v55  }
0x8a: {  	v0 =	vmin.f32 v0, v2;
	v1 =	vmax.f32 v1, v3  }
0x8b: {  	v0 =	vmin.f32 v0, v56;
	v1 =	vmax.f32 v1, v57  }
0x8c: {  	v0 =	vmin.f32 v0, v58;
	v1 =	vmax.f32 v1, v59  }
0x8d: {  	v0 =	vmin.f32 v0, v60;
	v1 =	vmax.f32 v1, v61  }
0x8e: {  	v0 =	vmin.f32 v0, v62;
	v1 =	vmax.f32 v1, v63  }
0x8f: {  	v1 =	vsub.f32 v1, v0;
	_ =	sdelay $0x1  }
0x90: {  	v1 =	vmul.f32 $3.906250000e-03, v1;
	_ =	sdelay $0x1  }
0x91: {  	(erf) = vrcp.f32 v1;
	_ =	sdelay $0x8  }
0x92: {  	s2 =	simm.s32 $0x0;
	v1 =	vpop (erf)  }
.LBB2_2:
0x93: {  	_ =	swait.ge [sflag:s23], $0x4000  }
0x94: {  	p0 =	seq.s32 s2, $0x0;
	[sflag:s23] =	ssyncset.done $0x0  }
0x95: {  	s6 =	simm.s32 @!p0 $0x5;
	[sflag:s23] =	ssyncadd.s32 $0xFFFFC000  }
0x96: {  	_ =	swait.ge @!p0 [sflag:s6], $0x4000  }
0x97: {  	[sflag:s6] =	ssyncset.done @!p0 $0x0  }
0x98: {  	s22 =	simm.s32 $0x580;
	[sflag:s6] =	ssyncadd.s32 @!p0 $0xFFFFC000  }
0x99: {  	v2 =	vld [tilespmem:s22+$0x70]  }
0x9a: {  	v3 =	vld [tilespmem:s22+$0xFFFFFF90]  }
0x9b: {  	v4 =	vld [tilespmem:s22+$0xFFFFFFA0]  }
0x9c: {  	v5 =	vld [tilespmem:s22+$0xFFFFFFB0]  }
0x9d: {  	v6 =	vld [tilespmem:s22+$0xFFFFFFC0]  }
0x9e: {  	v7 =	vld [tilespmem:s22+$0xFFFFFFD0]  }
0x9f: {  	v8 =	vld [tilespmem:s22+$0xFFFFFFE0]  }
0xa0: {  	v9 =	vld [tilespmem:s22+$0xFFFFFFF0]  }
0xa1: {  	v10 =	vld [tilespmem:s22+$0x0]  }
0xa2: {  	v11 =	vld [tilespmem:s22+$0x10];
	v2 =	vsub.f32 v2, v0;
	v3 =	vsub.f32 v3, v0  }
0xa3: {  	v12 =	vld [tilespmem:s22+$0x20];
	v4 =	vsub.f32 v4, v0;
	v5 =	vsub.f32 v5, v0  }
0xa4: {  	v14 =	vld [tilespmem:s22+$0x40];
	v6 =	vsub.f32 v6, v0;
	v7 =	vsub.f32 v7, v0  }
0xa5: {  	v8 =	vsub.f32 v8, v0;
	v9 =	vsub.f32 v9, v0;
	v2 =	vmul.f32 v2, v1  }
0xa6: {  	v10 =	vsub.f32 v10, v0;
	v3 =	vmul.f32 v3, v1;
	v4 =	vmul.f32 v4, v1  }
0xa7: {  	v11 =	vsub.f32 v11, v0;
	v5 =	vmul.f32 v5, v1;
	v6 =	vmul.f32 v6, v1  }
0xa8: {  	v12 =	vsub.f32 v12, v0;
	v7 =	vmul.f32 v7, v1;
	v8 =	vmul.f32 v8, v1  }
0xa9: {  	v14 =	vsub.f32 v14, v0;
	v9 =	vmul.f32 v9, v1;
	v10 =	vmul.f32 v10, v1  }
0xaa: {  	v13 =	vld [tilespmem:s22+$0x30];
	v11 =	vmul.f32 v11, v1;
	v12 =	vmul.f32 v12, v1  }
0xab: {  	v16 =	vld [tilespmem:s22+$0x50];
	v14 =	vmul.f32 v14, v1;
	v2 =	vtrunc.f32 v2  }
0xac: {  	v18 =	vld [tilespmem:s22+$0x60];
	v17 =	vtrunc.f32 v3;
	v3 =	vtrunc.f32 v5  }
0xad: {  	v19 =	vld [tilespmem:s22+$0xFFFFFF80];
	v5 =	vtrunc.f32 v7;
	v7 =	vtrunc.f32 v9  }
0xae: {  	v9 =	vtrunc.f32 v11;
	v11 =	vtrunc.f32 v12  }
0xaf: {  	v13 =	vsub.f32 v13, v0;
	v15 =	vcvt.f32.s32 v2;
	v2 =	vtrunc.f32 v4  }
0xb0: {  	v4 =	vtrunc.f32 v6;
	v6 =	vtrunc.f32 v8  }
0xb1: {  	v8 =	vtrunc.f32 v10;
	v10 =	vmul.f32 v13, v1;
	v13 =	vsub.f32 v16, v0  }
0xb2: {  	v14 =	vtrunc.f32 v14;
	v16 =	vsub.f32 v18, v0;
	v18 =	vsub.f32 v19, v0  }
0xb3: {  	v12 =	vmul.f32 v13, v1;
	v10 =	vtrunc.f32 v10  }
0xb4: {  	s6 =	simm.s32 $0x10580;
	v16 =	vmul.f32 v16, v1;
	v18 =	vmul.f32 v18, v1  }
0xb5: {  	s18 =	sshll.u32 s2, $0x10;
	s7 =	simm.s32 $0x0;
	[tilespmem:s6+$0x70] =	vst v15;
	v15 =	vcvt.f32.s32 v17;
	v13 =	vtrunc.f32 v12  }
0xb6: {  	s9 =	simm.s32 $0x680;
	s19 =	sor.u32 s5, s18;
	s22 =	simm.s32 $0x10580;
	v12 =	vtrunc.f32 v16;
	v16 =	vtrunc.f32 v18  }
.LBB2_3:
0xb7: {  	v17 =	vld [tilespmem:s9+$0x70];
	s7 =	sadd.s32 $0x10, s7;
	v16 =	vcvt.f32.s32 v16;
	v2 =	vcvt.f32.s32 v2  }
0xb8: {  	v3 =	vcvt.f32.s32 v3;
	v4 =	vcvt.f32.s32 v4;
	v18 =	vld [tilespmem:s9+$0xFFFFFF90];
	p1 =	slt.u32 s7, $0x3F0;
	[tilespmem:s6+$0xFFFFFF90] =	vst v15  }
0xb9: {  	v5 =	vcvt.f32.s32 v5;
	v6 =	vcvt.f32.s32 v6;
	v15 =	vld [tilespmem:s9+$0xFFFFFFA0];
	[tilespmem:s6+$0xFFFFFF80] =	vst v16  }
0xba: {  	v16 =	vld [tilespmem:s9+$0xFFFFFFB0];
	[tilespmem:s6+$0xFFFFFFA0] =	vst v2;
	v2 =	vcvt.f32.s32 v7;
	v7 =	vcvt.f32.s32 v8  }
0xbb: {  	v8 =	vld [tilespmem:s9+$0xFFFFFFC0];
	[tilespmem:s6+$0xFFFFFFB0] =	vst v3;
	v3 =	vcvt.f32.s32 v9;
	v9 =	vcvt.f32.s32 v11  }
0xbc: {  	v11 =	vld [tilespmem:s9+$0xFFFFFFD0];
	v17 =	vsub.f32 v17, v0;
	[tilespmem:s6+$0xFFFFFFC0] =	vst v4;
	v4 =	vcvt.f32.s32 v10;
	v10 =	vcvt.f32.s32 v14  }
0xbd: {  	v13 =	vcvt.f32.s32 v13;
	v12 =	vcvt.f32.s32 v12;
	v14 =	vsub.f32 v18, v0;
	v18 =	vld [tilespmem:s9+$0xFFFFFFE0];
	[tilespmem:s6+$0xFFFFFFD0] =	vst v5  }
0xbe: {  	v5 =	vsub.f32 v15, v0;
	v15 =	vld [tilespmem:s9+$0xFFFFFFF0];
	v17 =	vmul.f32 v17, v1;
	[tilespmem:s6+$0xFFFFFFE0] =	vst v6  }
0xbf: {  	v6 =	vmul.f32 v14, v1;
	v14 =	vsub.f32 v16, v0;
	v16 =	vld [tilespmem:s9+$0x0];
	[tilespmem:s6+$0xFFFFFFF0] =	vst v2  }
0xc0: {  	v2 =	vmul.f32 v5, v1;
	v5 =	vsub.f32 v8, v0;
	v8 =	vld [tilespmem:s9+$0x10];
	v17 =	vtrunc.f32 v17;
	[tilespmem:s6+$0x0] =	vst v7  }
0xc1: {  	v7 =	vmul.f32 v14, v1;
	v11 =	vsub.f32 v11, v0;
	v14 =	vld [tilespmem:s9+$0x20];
	v17 =	vcvt.f32.s32 v17;
	[tilespmem:s6+$0x10] =	vst v3  }
0xc2: {  	v19 =	vtrunc.f32 v6;
	s6 =	sadd.s32 $0x100, s6;
	v5 =	vmul.f32 v5, v1;
	v6 =	vsub.f32 v18, v0;
	v18 =	vld [tilespmem:s9+$0x30];
	[tilespmem:s22+$0x20] =	vst v9  }
0xc3: {  	v2 =	vtrunc.f32 v2;
	v9 =	vmul.f32 v11, v1;
	v11 =	vsub.f32 v15, v0;
	v15 =	vld [tilespmem:s9+$0x40];
	[tilespmem:s6+$0x70] =	vst v17  }
0xc4: {  	v3 =	vtrunc.f32 v7;
	v6 =	vmul.f32 v6, v1;
	v7 =	vsub.f32 v16, v0;
	v16 =	vld [tilespmem:s9+$0x50];
	[tilespmem:s22+$0x30] =	vst v4  }
0xc5: {  	v4 =	vtrunc.f32 v5;
	v11 =	vmul.f32 v11, v1;
	v8 =	vsub.f32 v8, v0;
	v17 =	vld [tilespmem:s9+$0x60];
	[tilespmem:s22+$0x40] =	vst v10  }
0xc6: {  	v5 =	vtrunc.f32 v9;
	v10 =	vld [tilespmem:s9+$0xFFFFFF80];
	v9 =	vmul.f32 v7, v1;
	v14 =	vsub.f32 v14, v0;
	[tilespmem:s22+$0x50] =	vst v13  }
0xc7: {  	v6 =	vtrunc.f32 v6;
	v13 =	vmul.f32 v8, v1;
	v18 =	vsub.f32 v18, v0;
	[tilespmem:s22+$0x60] =	vst v12;
	s22 =	smov.u32 s6  }
0xc8: {  	v7 =	vtrunc.f32 v11;
	v11 =	vmul.f32 v14, v1;
	v12 =	vsub.f32 v15, v0  }
0xc9: {  	v8 =	vtrunc.f32 v9;
	v14 =	vmul.f32 v18, v1;
	v15 =	vsub.f32 v16, v0  }
0xca: {  	v9 =	vtrunc.f32 v13;
	v12 =	vmul.f32 v12, v1;
	v13 =	vsub.f32 v17, v0  }
.Ltmp2:
0xcb: {  	v11 =	vtrunc.f32 v11;
	v16 =	vsub.f32 v10, v0;
	v15 =	vmul.f32 v15, v1;
	(pc) =	sbr.rel @p1 .LBB2_3-.Ltmp2, $4  }
0xcc: {  	v10 =	vtrunc.f32 v14;
	v17 =	vmul.f32 v13, v1  }
0xcd: {  	v14 =	vtrunc.f32 v12;
	v16 =	vmul.f32 v16, v1  }
0xce: {  	v13 =	vtrunc.f32 v15;
	v12 =	vtrunc.f32 v17  }
0xcf: {  	s9 =	sadd.s32 $0x100, s9;
	v15 =	vcvt.f32.s32 v19;
	v16 =	vtrunc.f32 v16  }
0xd0: {  	v16 =	vcvt.f32.s32 v16  }
0xd1: {  	v2 =	vcvt.f32.s32 v2;
	[tilespmem:s6+$0xFFFFFF90] =	vst v15  }
0xd2: {  	v3 =	vcvt.f32.s32 v3;
	[tilespmem:s6+$0xFFFFFF80] =	vst v16  }
0xd3: {  	v4 =	vcvt.f32.s32 v4;
	[tilespmem:s6+$0xFFFFFFA0] =	vst v2  }
0xd4: {  	v61 =	vcvt.f32.s32 v7;
	[tilespmem:s6+$0xFFFFFFB0] =	vst v3  }
0xd5: {  	v62 =	vcvt.f32.s32 v11;
	[tilespmem:s6+$0xFFFFFFC0] =	vst v4  }
0xd6: {  	v63 =	vcvt.f32.s32 v13;
	[tilespmem:s6+$0xFFFFFFF0] =	vst v61  }
0xd7: {  	v2 =	vcvt.f32.s32 v5;
	[tilespmem:s22+$0x20] =	vst v62  }
0xd8: {  	v3 =	vcvt.f32.s32 v6;
	[tilespmem:s22+$0x50] =	vst v63  }
0xd9: {  	[tilespmem:s6+$0xFFFFFFD0] =	vst v2;
	v2 =	vcvt.f32.s32 v8  }
0xda: {  	[tilespmem:s6+$0xFFFFFFE0] =	vst v3;
	v3 =	vcvt.f32.s32 v9  }
0xdb: {  	p1 =	sne.s32 s2, $0x7;
	[tilespmem:s6+$0x0] =	vst v2;
	v2 =	vcvt.f32.s32 v10  }
.Ltmp3:
0xdc: {  	[tilespmem:s6+$0x10] =	vst v3;
	v3 =	vcvt.f32.s32 v14;
	(pc) =	sbr.rel @p1 .LBB2_6-.Ltmp3, $4  }
0xdd: {  	[tilespmem:s22+$0x30] =	vst v2;
	v2 =	vcvt.f32.s32 v12  }
0xde: {  	s19 =	sshrl.u32 s19, $0x3;
	[tilespmem:s22+$0x40] =	vst v3  }
0xdf: {  	[tilespmem:s22+$0x60] =	vst v2;
	s22 =	sadd.s32 s3, s19  }
0xe0: {  	[hbm4b:s22+s4] =	stream.linear.scatter [tilespmem:s24], [sflag:$0x5], $0x4000, $0x38;
	[tilespmem:$0x18500] =	vst v63  }
.Ltmp4:
0xe1: {  	(pc) =	sbr.rel .LBB2_7-.Ltmp4, $4  }
0xe2: {  	_ = 	snop  }
0xe3: {  	_ =	swait.ge [sflag:s25], $0x4000  }
0xe4: {  	[sflag:s25] =	ssyncset.done $0x0  }
0xe5: {  	[sflag:s25] =	ssyncadd.s32 $0xFFFFC000  }
.LBB2_6:
0xe6: {  	s6 =	sadd.s32 s18, s12  }
0xe7: {  	s6 =	sshrl.u32 s6, $0x3  }
.Ltmp5:
0xe8: {  	s6 =	sadd.s32 s1, s6;
	(pc) =	sbr.rel @p0 .LBB2_8-.Ltmp5, $4  }
0xe9: {  	[tilespmem:s17], [sflag:$0x1] =	stream.linear.gather [hbm4b:s6+s4], $0x4000, $0x38;
	[tilespmem:$0x18500] =	vst v63  }
0xea: {  	_ =	swait.ge [sflag:s25], $0x4000  }
0xeb: {  	[sflag:s25] =	ssyncset.done $0x0  }
0xec: {  	[sflag:s25] =	ssyncadd.s32 $0xFFFFC000  }
.LBB2_7:
0xed: {  	_ =	swait.ge [sflag:s26], $0x4000  }
0xee: {  	[sflag:s26] =	ssyncset.done $0x0  }
0xef: {  	[sflag:s26] =	ssyncadd.s32 $0xFFFFC000  }
.LBB2_8:
0xf0: {  	s6 =	simm.s32 $0x4580  }
0xf1: {  	v2 =	vld [tilespmem:s6+$0x70]  }
0xf2: {  	v3 =	vld [tilespmem:s6+$0xFFFFFF90]  }
0xf3: {  	v4 =	vld [tilespmem:s6+$0xFFFFFFA0]  }
0xf4: {  	v5 =	vld [tilespmem:s6+$0xFFFFFFB0]  }
0xf5: {  	v6 =	vld [tilespmem:s6+$0xFFFFFFC0]  }
0xf6: {  	v7 =	vld [tilespmem:s6+$0xFFFFFFD0]  }
0xf7: {  	v8 =	vld [tilespmem:s6+$0xFFFFFFE0]  }
0xf8: {  	v9 =	vld [tilespmem:s6+$0xFFFFFFF0]  }
0xf9: {  	v10 =	vld [tilespmem:s6+$0x0];
	v2 =	vsub.f32 v2, v0  }
0xfa: {  	v11 =	vld [tilespmem:s6+$0x10];
	v3 =	vsub.f32 v3, v0;
	v4 =	vsub.f32 v4, v0  }
0xfb: {  	v12 =	vld [tilespmem:s6+$0x20];
	v5 =	vsub.f32 v5, v0;
	v6 =	vsub.f32 v6, v0  }
0xfc: {  	v7 =	vsub.f32 v7, v0;
	v8 =	vsub.f32 v8, v0  }
0xfd: {  	v9 =	vsub.f32 v9, v0;
	v2 =	vmul.f32 v2, v1;
	v3 =	vmul.f32 v3, v1  }
0xfe: {  	v14 =	vld [tilespmem:s6+$0x40];
	v10 =	vsub.f32 v10, v0;
	v4 =	vmul.f32 v4, v1;
	v5 =	vmul.f32 v5, v1  }
0xff: {  	v11 =	vsub.f32 v11, v0;
	v6 =	vmul.f32 v6, v1;
	v7 =	vmul.f32 v7, v1  }
0x100: {  	v13 =	vld [tilespmem:s6+$0x30];
	v12 =	vsub.f32 v12, v0;
	v8 =	vmul.f32 v8, v1;
	v9 =	vmul.f32 v9, v1  }
0x101: {  	v16 =	vld [tilespmem:s6+$0x50];
	v10 =	vmul.f32 v10, v1;
	v11 =	vmul.f32 v11, v1  }
0x102: {  	v18 =	vld [tilespmem:s6+$0x60];
	v12 =	vmul.f32 v12, v1;
	v2 =	vtrunc.f32 v2  }
0x103: {  	v19 =	vld [tilespmem:s6+$0xFFFFFF80];
	v14 =	vsub.f32 v14, v0;
	v17 =	vtrunc.f32 v3;
	v3 =	vtrunc.f32 v5  }
0x104: {  	v5 =	vtrunc.f32 v7;
	v7 =	vtrunc.f32 v9  }
0x105: {  	v13 =	vsub.f32 v13, v0;
	v9 =	vtrunc.f32 v11;
	v11 =	vmul.f32 v14, v1  }
0x106: {  	v16 =	vsub.f32 v16, v0;
	v15 =	vcvt.f32.s32 v2;
	v2 =	vtrunc.f32 v4  }
0x107: {  	v14 =	vsub.f32 v18, v0;
	v4 =	vtrunc.f32 v6;
	v6 =	vtrunc.f32 v8  }
0x108: {  	v18 =	vsub.f32 v19, v0;
	v8 =	vtrunc.f32 v10;
	v10 =	vmul.f32 v13, v1  }
0x109: {  	v13 =	vtrunc.f32 v12;
	v12 =	vmul.f32 v16, v1  }
0x10a: {  	v16 =	vmul.f32 v14, v1;
	v18 =	vmul.f32 v18, v1  }
0x10b: {  	s6 =	simm.s32 $0x14580;
	v14 =	vtrunc.f32 v11;
	v10 =	vtrunc.f32 v10  }
0x10c: {  	v12 =	vtrunc.f32 v12;
	[tilespmem:s6+$0x70] =	vst v15;
	v15 =	vcvt.f32.s32 v17  }
0x10d: {  	s7 =	simm.s32 $0x0;
	s9 =	simm.s32 $0x4680;
	s22 =	simm.s32 $0x14580;
	v11 =	vtrunc.f32 v16;
	v16 =	vtrunc.f32 v18  }
.LBB2_9:
0x10e: {  	v17 =	vld [tilespmem:s9+$0x70];
	s7 =	sadd.s32 $0x10, s7;
	v16 =	vcvt.f32.s32 v16;
	v2 =	vcvt.f32.s32 v2  }
0x10f: {  	v3 =	vcvt.f32.s32 v3;
	v4 =	vcvt.f32.s32 v4;
	v18 =	vld [tilespmem:s9+$0xFFFFFF90];
	p0 =	slt.u32 s7, $0x3F0;
	[tilespmem:s6+$0xFFFFFF90] =	vst v15  }
0x110: {  	v5 =	vcvt.f32.s32 v5;
	v6 =	vcvt.f32.s32 v6;
	v15 =	vld [tilespmem:s9+$0xFFFFFFA0];
	[tilespmem:s6+$0xFFFFFF80] =	vst v16  }
0x111: {  	v16 =	vld [tilespmem:s9+$0xFFFFFFB0];
	[tilespmem:s6+$0xFFFFFFA0] =	vst v2;
	v2 =	vcvt.f32.s32 v7;
	v7 =	vcvt.f32.s32 v8  }
0x112: {  	v8 =	vld [tilespmem:s9+$0xFFFFFFC0];
	[tilespmem:s6+$0xFFFFFFB0] =	vst v3;
	v3 =	vcvt.f32.s32 v9;
	v9 =	vcvt.f32.s32 v13  }
0x113: {  	v13 =	vld [tilespmem:s9+$0xFFFFFFD0];
	v17 =	vsub.f32 v17, v0;
	[tilespmem:s6+$0xFFFFFFC0] =	vst v4;
	v4 =	vcvt.f32.s32 v10;
	v10 =	vcvt.f32.s32 v14  }
0x114: {  	v12 =	vcvt.f32.s32 v12;
	v11 =	vcvt.f32.s32 v11;
	v14 =	vsub.f32 v18, v0;
	v18 =	vld [tilespmem:s9+$0xFFFFFFE0];
	[tilespmem:s6+$0xFFFFFFD0] =	vst v5  }
0x115: {  	v5 =	vsub.f32 v15, v0;
	v15 =	vld [tilespmem:s9+$0xFFFFFFF0];
	v17 =	vmul.f32 v17, v1;
	[tilespmem:s6+$0xFFFFFFE0] =	vst v6  }
0x116: {  	v6 =	vmul.f32 v14, v1;
	v14 =	vsub.f32 v16, v0;
	v16 =	vld [tilespmem:s9+$0x0];
	[tilespmem:s6+$0xFFFFFFF0] =	vst v2  }
0x117: {  	v2 =	vmul.f32 v5, v1;
	v5 =	vsub.f32 v8, v0;
	v8 =	vld [tilespmem:s9+$0x10];
	v17 =	vtrunc.f32 v17;
	[tilespmem:s6+$0x0] =	vst v7  }
0x118: {  	v7 =	vmul.f32 v14, v1;
	v13 =	vsub.f32 v13, v0;
	v14 =	vld [tilespmem:s9+$0x20];
	v17 =	vcvt.f32.s32 v17;
	[tilespmem:s6+$0x10] =	vst v3  }
0x119: {  	v19 =	vtrunc.f32 v6;
	s6 =	sadd.s32 $0x100, s6;
	v5 =	vmul.f32 v5, v1;
	v6 =	vsub.f32 v18, v0;
	v18 =	vld [tilespmem:s9+$0x30];
	[tilespmem:s22+$0x20] =	vst v9  }
0x11a: {  	v2 =	vtrunc.f32 v2;
	v9 =	vmul.f32 v13, v1;
	v13 =	vsub.f32 v15, v0;
	v15 =	vld [tilespmem:s9+$0x40];
	[tilespmem:s6+$0x70] =	vst v17  }
0x11b: {  	v3 =	vtrunc.f32 v7;
	v6 =	vmul.f32 v6, v1;
	v7 =	vsub.f32 v16, v0;
	v16 =	vld [tilespmem:s9+$0x50];
	[tilespmem:s22+$0x30] =	vst v4  }
0x11c: {  	v4 =	vtrunc.f32 v5;
	v13 =	vmul.f32 v13, v1;
	v8 =	vsub.f32 v8, v0;
	v17 =	vld [tilespmem:s9+$0x60];
	[tilespmem:s22+$0x40] =	vst v10  }
0x11d: {  	v5 =	vtrunc.f32 v9;
	v10 =	vld [tilespmem:s9+$0xFFFFFF80];
	v9 =	vmul.f32 v7, v1;
	v14 =	vsub.f32 v14, v0;
	[tilespmem:s22+$0x50] =	vst v12  }
0x11e: {  	v6 =	vtrunc.f32 v6;
	v12 =	vmul.f32 v8, v1;
	v18 =	vsub.f32 v18, v0;
	[tilespmem:s22+$0x60] =	vst v11;
	s22 =	smov.u32 s6  }
0x11f: {  	v7 =	vtrunc.f32 v13;
	v11 =	vmul.f32 v14, v1;
	v13 =	vsub.f32 v15, v0  }
0x120: {  	v8 =	vtrunc.f32 v9;
	v14 =	vmul.f32 v18, v1;
	v15 =	vsub.f32 v16, v0  }
0x121: {  	v9 =	vtrunc.f32 v12;
	v12 =	vmul.f32 v13, v1;
	v16 =	vsub.f32 v17, v0  }
.Ltmp6:
0x122: {  	v13 =	vtrunc.f32 v11;
	v17 =	vsub.f32 v10, v0;
	v11 =	vmul.f32 v15, v1;
	(pc) =	sbr.rel @p0 .LBB2_9-.Ltmp6, $4  }
0x123: {  	v10 =	vtrunc.f32 v14;
	v15 =	vmul.f32 v16, v1  }
0x124: {  	v14 =	vtrunc.f32 v12;
	v16 =	vmul.f32 v17, v1  }
0x125: {  	v12 =	vtrunc.f32 v11;
	v11 =	vtrunc.f32 v15  }
0x126: {  	s9 =	sadd.s32 $0x100, s9;
	v15 =	vcvt.f32.s32 v19;
	v16 =	vtrunc.f32 v16  }
0x127: {  	v16 =	vcvt.f32.s32 v16  }
0x128: {  	v2 =	vcvt.f32.s32 v2;
	[tilespmem:s6+$0xFFFFFF90] =	vst v15  }
0x129: {  	v3 =	vcvt.f32.s32 v3;
	[tilespmem:s6+$0xFFFFFF80] =	vst v16  }
0x12a: {  	v4 =	vcvt.f32.s32 v4;
	[tilespmem:s6+$0xFFFFFFA0] =	vst v2  }
0x12b: {  	v2 =	vcvt.f32.s32 v5;
	[tilespmem:s6+$0xFFFFFFB0] =	vst v3  }
0x12c: {  	v3 =	vcvt.f32.s32 v6;
	[tilespmem:s6+$0xFFFFFFC0] =	vst v4  }
0x12d: {  	v4 =	vcvt.f32.s32 v7;
	[tilespmem:s6+$0xFFFFFFD0] =	vst v2  }
0x12e: {  	v2 =	vcvt.f32.s32 v8;
	[tilespmem:s6+$0xFFFFFFE0] =	vst v3  }
0x12f: {  	v3 =	vcvt.f32.s32 v9;
	[tilespmem:s6+$0xFFFFFFF0] =	vst v4  }
0x130: {  	v4 =	vcvt.f32.s32 v13;
	[tilespmem:s6+$0x0] =	vst v2  }
0x131: {  	v2 =	vcvt.f32.s32 v10;
	[tilespmem:s6+$0x10] =	vst v3  }
0x132: {  	v3 =	vcvt.f32.s32 v14;
	[tilespmem:s22+$0x20] =	vst v4  }
0x133: {  	v4 =	vcvt.f32.s32 v12;
	[tilespmem:s22+$0x30] =	vst v2  }
0x134: {  	p0 =	seq.s32 s2, $0x7;
	v2 =	vcvt.f32.s32 v11;
	[tilespmem:s22+$0x40] =	vst v3  }
0x135: {  	s19 =	sadd.s32 s19, s3;
	s6 =	sadd.s32 @!p0 s18, s13;
	[tilespmem:s22+$0x50] =	vst v4  }
0x136: {  	s9 =	sadd.s32 $0x800, s19;
	s6 =	sshrl.u32 @!p0 s6, $0x3;
	[tilespmem:s22+$0x60] =	vst v2  }
0x137: {  	[hbm4b:s9+s4] =	stream.linear.scatter [tilespmem:s28], [sflag:$0x6], $0x4000, $0x38;
	[tilespmem:$0x18500] =	vst v63  }
0x138: {  	s7 =	simm.s32 @!p0 $0x0;
	s6 =	sadd.s32 @!p0 s1, s6;
	s9 =	simm.s32 @!p0 $0x4500  }
0x139: {  	[tilespmem:s9], [sflag:$0x2] =	stream.linear.gather @!p0 [hbm4b:s6+s7], $0x4000, $0x38;
	[tilespmem:$0x18500] =	vst v63  }
0x13a: {  	_ =	swait.ge [sflag:s29], $0x4000  }
0x13b: {  	[sflag:s29] =	ssyncset.done $0x0  }
0x13c: {  	[sflag:s29] =	ssyncadd.s32 $0xFFFFC000  }
0x13d: {  	_ =	swait.ge [sflag:s30], $0x4000  }
0x13e: {  	[sflag:s30] =	ssyncset.done $0x0  }
0x13f: {  	s22 =	simm.s32 $0x8580;
	[sflag:s30] =	ssyncadd.s32 $0xFFFFC000  }
0x140: {  	v2 =	vld [tilespmem:s22+$0x70]  }
0x141: {  	v3 =	vld [tilespmem:s22+$0xFFFFFF90]  }
0x142: {  	v4 =	vld [tilespmem:s22+$0xFFFFFFA0]  }
0x143: {  	v5 =	vld [tilespmem:s22+$0xFFFFFFB0]  }
0x144: {  	v6 =	vld [tilespmem:s22+$0xFFFFFFC0]  }
0x145: {  	v7 =	vld [tilespmem:s22+$0xFFFFFFD0]  }
0x146: {  	v8 =	vld [tilespmem:s22+$0xFFFFFFE0]  }
0x147: {  	v9 =	vld [tilespmem:s22+$0xFFFFFFF0]  }
0x148: {  	v10 =	vld [tilespmem:s22+$0x0];
	v2 =	vsub.f32 v2, v0  }
0x149: {  	v11 =	vld [tilespmem:s22+$0x10];
	v3 =	vsub.f32 v3, v0;
	v4 =	vsub.f32 v4, v0  }
0x14a: {  	v12 =	vld [tilespmem:s22+$0x20];
	v5 =	vsub.f32 v5, v0;
	v6 =	vsub.f32 v6, v0  }
0x14b: {  	v7 =	vsub.f32 v7, v0;
	v8 =	vsub.f32 v8, v0  }
0x14c: {  	v9 =	vsub.f32 v9, v0;
	v2 =	vmul.f32 v2, v1;
	v3 =	vmul.f32 v3, v1  }
0x14d: {  	v14 =	vld [tilespmem:s22+$0x40];
	v10 =	vsub.f32 v10, v0;
	v4 =	vmul.f32 v4, v1;
	v5 =	vmul.f32 v5, v1  }
0x14e: {  	v11 =	vsub.f32 v11, v0;
	v6 =	vmul.f32 v6, v1;
	v7 =	vmul.f32 v7, v1  }
0x14f: {  	v13 =	vld [tilespmem:s22+$0x30];
	v12 =	vsub.f32 v12, v0;
	v8 =	vmul.f32 v8, v1;
	v9 =	vmul.f32 v9, v1  }
0x150: {  	v16 =	vld [tilespmem:s22+$0x50];
	v10 =	vmul.f32 v10, v1;
	v11 =	vmul.f32 v11, v1  }
0x151: {  	v18 =	vld [tilespmem:s22+$0x60];
	v12 =	vmul.f32 v12, v1;
	v2 =	vtrunc.f32 v2  }
0x152: {  	v19 =	vld [tilespmem:s22+$0xFFFFFF80];
	v14 =	vsub.f32 v14, v0;
	v17 =	vtrunc.f32 v3;
	v3 =	vtrunc.f32 v5  }
0x153: {  	v5 =	vtrunc.f32 v7;
	v7 =	vtrunc.f32 v9  }
0x154: {  	v13 =	vsub.f32 v13, v0;
	v9 =	vtrunc.f32 v11;
	v11 =	vmul.f32 v14, v1  }
0x155: {  	v16 =	vsub.f32 v16, v0;
	v15 =	vcvt.f32.s32 v2;
	v2 =	vtrunc.f32 v4  }
0x156: {  	v14 =	vsub.f32 v18, v0;
	v4 =	vtrunc.f32 v6;
	v6 =	vtrunc.f32 v8  }
0x157: {  	v18 =	vsub.f32 v19, v0;
	v8 =	vtrunc.f32 v10;
	v10 =	vmul.f32 v13, v1  }
0x158: {  	v13 =	vtrunc.f32 v12;
	v12 =	vmul.f32 v16, v1  }
0x159: {  	v16 =	vmul.f32 v14, v1;
	v18 =	vmul.f32 v18, v1  }
0x15a: {  	s6 =	simm.s32 $0x10580;
	v14 =	vtrunc.f32 v11;
	v10 =	vtrunc.f32 v10  }
0x15b: {  	v12 =	vtrunc.f32 v12;
	[tilespmem:s6+$0x70] =	vst v15;
	v15 =	vcvt.f32.s32 v17  }
0x15c: {  	s7 =	simm.s32 $0x0;
	s9 =	simm.s32 $0x8680;
	s22 =	simm.s32 $0x10580;
	v11 =	vtrunc.f32 v16;
	v16 =	vtrunc.f32 v18  }
.LBB2_11:
0x15d: {  	v17 =	vld [tilespmem:s9+$0x70];
	s7 =	sadd.s32 $0x10, s7;
	v16 =	vcvt.f32.s32 v16;
	v2 =	vcvt.f32.s32 v2  }
0x15e: {  	v3 =	vcvt.f32.s32 v3;
	v4 =	vcvt.f32.s32 v4;
	v18 =	vld [tilespmem:s9+$0xFFFFFF90];
	p1 =	slt.u32 s7, $0x3F0;
	[tilespmem:s6+$0xFFFFFF90] =	vst v15  }
0x15f: {  	v5 =	vcvt.f32.s32 v5;
	v6 =	vcvt.f32.s32 v6;
	v15 =	vld [tilespmem:s9+$0xFFFFFFA0];
	[tilespmem:s6+$0xFFFFFF80] =	vst v16  }
0x160: {  	v16 =	vld [tilespmem:s9+$0xFFFFFFB0];
	[tilespmem:s6+$0xFFFFFFA0] =	vst v2;
	v2 =	vcvt.f32.s32 v7;
	v7 =	vcvt.f32.s32 v8  }
0x161: {  	v8 =	vld [tilespmem:s9+$0xFFFFFFC0];
	[tilespmem:s6+$0xFFFFFFB0] =	vst v3;
	v3 =	vcvt.f32.s32 v9;
	v9 =	vcvt.f32.s32 v13  }
0x162: {  	v13 =	vld [tilespmem:s9+$0xFFFFFFD0];
	v17 =	vsub.f32 v17, v0;
	[tilespmem:s6+$0xFFFFFFC0] =	vst v4;
	v4 =	vcvt.f32.s32 v10;
	v10 =	vcvt.f32.s32 v14  }
0x163: {  	v12 =	vcvt.f32.s32 v12;
	v11 =	vcvt.f32.s32 v11;
	v14 =	vsub.f32 v18, v0;
	v18 =	vld [tilespmem:s9+$0xFFFFFFE0];
	[tilespmem:s6+$0xFFFFFFD0] =	vst v5  }
0x164: {  	v5 =	vsub.f32 v15, v0;
	v15 =	vld [tilespmem:s9+$0xFFFFFFF0];
	v17 =	vmul.f32 v17, v1;
	[tilespmem:s6+$0xFFFFFFE0] =	vst v6  }
0x165: {  	v6 =	vmul.f32 v14, v1;
	v14 =	vsub.f32 v16, v0;
	v16 =	vld [tilespmem:s9+$0x0];
	[tilespmem:s6+$0xFFFFFFF0] =	vst v2  }
0x166: {  	v2 =	vmul.f32 v5, v1;
	v5 =	vsub.f32 v8, v0;
	v8 =	vld [tilespmem:s9+$0x10];
	v17 =	vtrunc.f32 v17;
	[tilespmem:s6+$0x0] =	vst v7  }
0x167: {  	v7 =	vmul.f32 v14, v1;
	v13 =	vsub.f32 v13, v0;
	v14 =	vld [tilespmem:s9+$0x20];
	v17 =	vcvt.f32.s32 v17;
	[tilespmem:s6+$0x10] =	vst v3  }
0x168: {  	v19 =	vtrunc.f32 v6;
	s6 =	sadd.s32 $0x100, s6;
	v5 =	vmul.f32 v5, v1;
	v6 =	vsub.f32 v18, v0;
	v18 =	vld [tilespmem:s9+$0x30];
	[tilespmem:s22+$0x20] =	vst v9  }
0x169: {  	v2 =	vtrunc.f32 v2;
	v9 =	vmul.f32 v13, v1;
	v13 =	vsub.f32 v15, v0;
	v15 =	vld [tilespmem:s9+$0x40];
	[tilespmem:s6+$0x70] =	vst v17  }
0x16a: {  	v3 =	vtrunc.f32 v7;
	v6 =	vmul.f32 v6, v1;
	v7 =	vsub.f32 v16, v0;
	v16 =	vld [tilespmem:s9+$0x50];
	[tilespmem:s22+$0x30] =	vst v4  }
0x16b: {  	v4 =	vtrunc.f32 v5;
	v13 =	vmul.f32 v13, v1;
	v8 =	vsub.f32 v8, v0;
	v17 =	vld [tilespmem:s9+$0x60];
	[tilespmem:s22+$0x40] =	vst v10  }
0x16c: {  	v5 =	vtrunc.f32 v9;
	v10 =	vld [tilespmem:s9+$0xFFFFFF80];
	v9 =	vmul.f32 v7, v1;
	v14 =	vsub.f32 v14, v0;
	[tilespmem:s22+$0x50] =	vst v12  }
0x16d: {  	v6 =	vtrunc.f32 v6;
	v12 =	vmul.f32 v8, v1;
	v18 =	vsub.f32 v18, v0;
	[tilespmem:s22+$0x60] =	vst v11;
	s22 =	smov.u32 s6  }
0x16e: {  	v7 =	vtrunc.f32 v13;
	v11 =	vmul.f32 v14, v1;
	v13 =	vsub.f32 v15, v0  }
0x16f: {  	v8 =	vtrunc.f32 v9;
	v14 =	vmul.f32 v18, v1;
	v15 =	vsub.f32 v16, v0  }
0x170: {  	v9 =	vtrunc.f32 v12;
	v12 =	vmul.f32 v13, v1;
	v16 =	vsub.f32 v17, v0  }
.Ltmp7:
0x171: {  	v13 =	vtrunc.f32 v11;
	v17 =	vsub.f32 v10, v0;
	v11 =	vmul.f32 v15, v1;
	(pc) =	sbr.rel @p1 .LBB2_11-.Ltmp7, $4  }
0x172: {  	v10 =	vtrunc.f32 v14;
	v15 =	vmul.f32 v16, v1  }
0x173: {  	v14 =	vtrunc.f32 v12;
	v16 =	vmul.f32 v17, v1  }
0x174: {  	v12 =	vtrunc.f32 v11;
	v11 =	vtrunc.f32 v15  }
0x175: {  	s9 =	sadd.s32 $0x100, s9;
	v15 =	vcvt.f32.s32 v19;
	v16 =	vtrunc.f32 v16  }
0x176: {  	v16 =	vcvt.f32.s32 v16  }
0x177: {  	v2 =	vcvt.f32.s32 v2;
	[tilespmem:s6+$0xFFFFFF90] =	vst v15  }
0x178: {  	v3 =	vcvt.f32.s32 v3;
	[tilespmem:s6+$0xFFFFFF80] =	vst v16  }
0x179: {  	v4 =	vcvt.f32.s32 v4;
	[tilespmem:s6+$0xFFFFFFA0] =	vst v2  }
0x17a: {  	v2 =	vcvt.f32.s32 v5;
	[tilespmem:s6+$0xFFFFFFB0] =	vst v3  }
0x17b: {  	v3 =	vcvt.f32.s32 v6;
	[tilespmem:s6+$0xFFFFFFC0] =	vst v4  }
0x17c: {  	v4 =	vcvt.f32.s32 v7;
	[tilespmem:s6+$0xFFFFFFD0] =	vst v2  }
0x17d: {  	v2 =	vcvt.f32.s32 v8;
	[tilespmem:s6+$0xFFFFFFE0] =	vst v3  }
0x17e: {  	v3 =	vcvt.f32.s32 v9;
	[tilespmem:s6+$0xFFFFFFF0] =	vst v4  }
0x17f: {  	v4 =	vcvt.f32.s32 v13;
	[tilespmem:s6+$0x0] =	vst v2  }
0x180: {  	v2 =	vcvt.f32.s32 v10;
	[tilespmem:s6+$0x10] =	vst v3  }
0x181: {  	v3 =	vcvt.f32.s32 v14;
	[tilespmem:s22+$0x20] =	vst v4  }
0x182: {  	v4 =	vcvt.f32.s32 v12;
	[tilespmem:s22+$0x30] =	vst v2  }
0x183: {  	v2 =	vcvt.f32.s32 v11;
	[tilespmem:s22+$0x40] =	vst v3  }
0x184: {  	s6 =	sadd.s32 @!p0 s18, s14;
	[tilespmem:s22+$0x50] =	vst v4  }
0x185: {  	s9 =	sadd.s32 $0x1000, s19;
	s6 =	sshrl.u32 @!p0 s6, $0x3;
	[tilespmem:s22+$0x60] =	vst v2  }
0x186: {  	[hbm4b:s9+s4] =	stream.linear.scatter [tilespmem:s24], [sflag:$0x5], $0x4000, $0x38;
	[tilespmem:$0x18500] =	vst v63  }
0x187: {  	s7 =	simm.s32 @!p0 $0x0;
	s6 =	sadd.s32 @!p0 s1, s6;
	s9 =	simm.s32 @!p0 $0x8500  }
0x188: {  	[tilespmem:s9], [sflag:$0x3] =	stream.linear.gather @!p0 [hbm4b:s6+s7], $0x4000, $0x38;
	[tilespmem:$0x18500] =	vst v63  }
0x189: {  	_ =	swait.ge [sflag:s31], $0x4000  }
0x18a: {  	[sflag:s31] =	ssyncset.done $0x0  }
0x18b: {  	[sflag:s31] =	ssyncadd.s32 $0xFFFFC000  }
0x18c: {  	_ =	swait.ge [sflag:s26], $0x4000  }
0x18d: {  	[sflag:s26] =	ssyncset.done $0x0  }
0x18e: {  	s22 =	simm.s32 $0xC580;
	[sflag:s26] =	ssyncadd.s32 $0xFFFFC000  }
0x18f: {  	v2 =	vld [tilespmem:s22+$0x70]  }
0x190: {  	v3 =	vld [tilespmem:s22+$0xFFFFFF90]  }
0x191: {  	v4 =	vld [tilespmem:s22+$0xFFFFFFA0]  }
0x192: {  	v5 =	vld [tilespmem:s22+$0xFFFFFFB0]  }
0x193: {  	v6 =	vld [tilespmem:s22+$0xFFFFFFC0]  }
0x194: {  	v7 =	vld [tilespmem:s22+$0xFFFFFFD0]  }
0x195: {  	v8 =	vld [tilespmem:s22+$0xFFFFFFE0]  }
0x196: {  	v9 =	vld [tilespmem:s22+$0xFFFFFFF0]  }
0x197: {  	v10 =	vld [tilespmem:s22+$0x0];
	v2 =	vsub.f32 v2, v0  }
0x198: {  	v11 =	vld [tilespmem:s22+$0x10];
	v3 =	vsub.f32 v3, v0;
	v4 =	vsub.f32 v4, v0  }
0x199: {  	v12 =	vld [tilespmem:s22+$0x20];
	v5 =	vsub.f32 v5, v0;
	v6 =	vsub.f32 v6, v0  }
0x19a: {  	v7 =	vsub.f32 v7, v0;
	v8 =	vsub.f32 v8, v0  }
0x19b: {  	v9 =	vsub.f32 v9, v0;
	v2 =	vmul.f32 v2, v1;
	v3 =	vmul.f32 v3, v1  }
0x19c: {  	v14 =	vld [tilespmem:s22+$0x40];
	v10 =	vsub.f32 v10, v0;
	v4 =	vmul.f32 v4, v1;
	v5 =	vmul.f32 v5, v1  }
0x19d: {  	v11 =	vsub.f32 v11, v0;
	v6 =	vmul.f32 v6, v1;
	v7 =	vmul.f32 v7, v1  }
0x19e: {  	v13 =	vld [tilespmem:s22+$0x30];
	v12 =	vsub.f32 v12, v0;
	v8 =	vmul.f32 v8, v1;
	v9 =	vmul.f32 v9, v1  }
0x19f: {  	v16 =	vld [tilespmem:s22+$0x50];
	v10 =	vmul.f32 v10, v1;
	v11 =	vmul.f32 v11, v1  }
0x1a0: {  	v18 =	vld [tilespmem:s22+$0x60];
	v12 =	vmul.f32 v12, v1;
	v2 =	vtrunc.f32 v2  }
0x1a1: {  	v19 =	vld [tilespmem:s22+$0xFFFFFF80];
	v14 =	vsub.f32 v14, v0;
	v17 =	vtrunc.f32 v3;
	v3 =	vtrunc.f32 v5  }
0x1a2: {  	v5 =	vtrunc.f32 v7;
	v7 =	vtrunc.f32 v9  }
0x1a3: {  	v13 =	vsub.f32 v13, v0;
	v9 =	vtrunc.f32 v11;
	v11 =	vmul.f32 v14, v1  }
0x1a4: {  	v16 =	vsub.f32 v16, v0;
	v15 =	vcvt.f32.s32 v2;
	v2 =	vtrunc.f32 v4  }
0x1a5: {  	v14 =	vsub.f32 v18, v0;
	v4 =	vtrunc.f32 v6;
	v6 =	vtrunc.f32 v8  }
0x1a6: {  	v18 =	vsub.f32 v19, v0;
	v8 =	vtrunc.f32 v10;
	v10 =	vmul.f32 v13, v1  }
0x1a7: {  	v13 =	vtrunc.f32 v12;
	v12 =	vmul.f32 v16, v1  }
0x1a8: {  	v16 =	vmul.f32 v14, v1;
	v18 =	vmul.f32 v18, v1  }
0x1a9: {  	s6 =	simm.s32 $0x14580;
	v14 =	vtrunc.f32 v11;
	v10 =	vtrunc.f32 v10  }
0x1aa: {  	v12 =	vtrunc.f32 v12;
	[tilespmem:s6+$0x70] =	vst v15;
	v15 =	vcvt.f32.s32 v17  }
0x1ab: {  	s7 =	simm.s32 $0x0;
	s9 =	simm.s32 $0xC680;
	s22 =	simm.s32 $0x14580;
	v11 =	vtrunc.f32 v16;
	v16 =	vtrunc.f32 v18  }
.LBB2_13:
0x1ac: {  	v17 =	vld [tilespmem:s9+$0x70];
	s7 =	sadd.s32 $0x10, s7;
	v16 =	vcvt.f32.s32 v16;
	v2 =	vcvt.f32.s32 v2  }
0x1ad: {  	v3 =	vcvt.f32.s32 v3;
	v4 =	vcvt.f32.s32 v4;
	v18 =	vld [tilespmem:s9+$0xFFFFFF90];
	p1 =	slt.u32 s7, $0x3F0;
	[tilespmem:s6+$0xFFFFFF90] =	vst v15  }
0x1ae: {  	v5 =	vcvt.f32.s32 v5;
	v6 =	vcvt.f32.s32 v6;
	v15 =	vld [tilespmem:s9+$0xFFFFFFA0];
	[tilespmem:s6+$0xFFFFFF80] =	vst v16  }
0x1af: {  	v16 =	vld [tilespmem:s9+$0xFFFFFFB0];
	[tilespmem:s6+$0xFFFFFFA0] =	vst v2;
	v2 =	vcvt.f32.s32 v7;
	v7 =	vcvt.f32.s32 v8  }
0x1b0: {  	v8 =	vld [tilespmem:s9+$0xFFFFFFC0];
	[tilespmem:s6+$0xFFFFFFB0] =	vst v3;
	v3 =	vcvt.f32.s32 v9;
	v9 =	vcvt.f32.s32 v13  }
0x1b1: {  	v13 =	vld [tilespmem:s9+$0xFFFFFFD0];
	v17 =	vsub.f32 v17, v0;
	[tilespmem:s6+$0xFFFFFFC0] =	vst v4;
	v4 =	vcvt.f32.s32 v10;
	v10 =	vcvt.f32.s32 v14  }
0x1b2: {  	v12 =	vcvt.f32.s32 v12;
	v11 =	vcvt.f32.s32 v11;
	v14 =	vsub.f32 v18, v0;
	v18 =	vld [tilespmem:s9+$0xFFFFFFE0];
	[tilespmem:s6+$0xFFFFFFD0] =	vst v5  }
0x1b3: {  	v5 =	vsub.f32 v15, v0;
	v15 =	vld [tilespmem:s9+$0xFFFFFFF0];
	v17 =	vmul.f32 v17, v1;
	[tilespmem:s6+$0xFFFFFFE0] =	vst v6  }
0x1b4: {  	v6 =	vmul.f32 v14, v1;
	v14 =	vsub.f32 v16, v0;
	v16 =	vld [tilespmem:s9+$0x0];
	[tilespmem:s6+$0xFFFFFFF0] =	vst v2  }
0x1b5: {  	v2 =	vmul.f32 v5, v1;
	v5 =	vsub.f32 v8, v0;
	v8 =	vld [tilespmem:s9+$0x10];
	v17 =	vtrunc.f32 v17;
	[tilespmem:s6+$0x0] =	vst v7  }
0x1b6: {  	v7 =	vmul.f32 v14, v1;
	v13 =	vsub.f32 v13, v0;
	v14 =	vld [tilespmem:s9+$0x20];
	v17 =	vcvt.f32.s32 v17;
	[tilespmem:s6+$0x10] =	vst v3  }
0x1b7: {  	v19 =	vtrunc.f32 v6;
	s6 =	sadd.s32 $0x100, s6;
	v5 =	vmul.f32 v5, v1;
	v6 =	vsub.f32 v18, v0;
	v18 =	vld [tilespmem:s9+$0x30];
	[tilespmem:s22+$0x20] =	vst v9  }
0x1b8: {  	v2 =	vtrunc.f32 v2;
	v9 =	vmul.f32 v13, v1;
	v13 =	vsub.f32 v15, v0;
	v15 =	vld [tilespmem:s9+$0x40];
	[tilespmem:s6+$0x70] =	vst v17  }
0x1b9: {  	v3 =	vtrunc.f32 v7;
	v6 =	vmul.f32 v6, v1;
	v7 =	vsub.f32 v16, v0;
	v16 =	vld [tilespmem:s9+$0x50];
	[tilespmem:s22+$0x30] =	vst v4  }
0x1ba: {  	v4 =	vtrunc.f32 v5;
	v13 =	vmul.f32 v13, v1;
	v8 =	vsub.f32 v8, v0;
	v17 =	vld [tilespmem:s9+$0x60];
	[tilespmem:s22+$0x40] =	vst v10  }
0x1bb: {  	v5 =	vtrunc.f32 v9;
	v10 =	vld [tilespmem:s9+$0xFFFFFF80];
	v9 =	vmul.f32 v7, v1;
	v14 =	vsub.f32 v14, v0;
	[tilespmem:s22+$0x50] =	vst v12  }
0x1bc: {  	v6 =	vtrunc.f32 v6;
	v12 =	vmul.f32 v8, v1;
	v18 =	vsub.f32 v18, v0;
	[tilespmem:s22+$0x60] =	vst v11;
	s22 =	smov.u32 s6  }
0x1bd: {  	v7 =	vtrunc.f32 v13;
	v11 =	vmul.f32 v14, v1;
	v13 =	vsub.f32 v15, v0  }
0x1be: {  	v8 =	vtrunc.f32 v9;
	v14 =	vmul.f32 v18, v1;
	v15 =	vsub.f32 v16, v0  }
0x1bf: {  	v9 =	vtrunc.f32 v12;
	v12 =	vmul.f32 v13, v1;
	v16 =	vsub.f32 v17, v0  }
.Ltmp8:
0x1c0: {  	v13 =	vtrunc.f32 v11;
	v17 =	vsub.f32 v10, v0;
	v11 =	vmul.f32 v15, v1;
	(pc) =	sbr.rel @p1 .LBB2_13-.Ltmp8, $4  }
0x1c1: {  	v10 =	vtrunc.f32 v14;
	v15 =	vmul.f32 v16, v1  }
0x1c2: {  	v14 =	vtrunc.f32 v12;
	v16 =	vmul.f32 v17, v1  }
0x1c3: {  	v12 =	vtrunc.f32 v11;
	v11 =	vtrunc.f32 v15  }
0x1c4: {  	s9 =	sadd.s32 $0x100, s9;
	v15 =	vcvt.f32.s32 v19;
	v16 =	vtrunc.f32 v16  }
0x1c5: {  	v16 =	vcvt.f32.s32 v16  }
0x1c6: {  	v2 =	vcvt.f32.s32 v2;
	[tilespmem:s6+$0xFFFFFF90] =	vst v15  }
0x1c7: {  	v3 =	vcvt.f32.s32 v3;
	[tilespmem:s6+$0xFFFFFF80] =	vst v16  }
0x1c8: {  	v4 =	vcvt.f32.s32 v4;
	[tilespmem:s6+$0xFFFFFFA0] =	vst v2  }
0x1c9: {  	v61 =	vcvt.f32.s32 v7;
	[tilespmem:s6+$0xFFFFFFB0] =	vst v3  }
0x1ca: {  	v62 =	vcvt.f32.s32 v13;
	[tilespmem:s6+$0xFFFFFFC0] =	vst v4  }
0x1cb: {  	v63 =	vcvt.f32.s32 v12;
	[tilespmem:s6+$0xFFFFFFF0] =	vst v61  }
0x1cc: {  	v2 =	vcvt.f32.s32 v5;
	[tilespmem:s22+$0x20] =	vst v62  }
0x1cd: {  	v3 =	vcvt.f32.s32 v6;
	[tilespmem:s22+$0x50] =	vst v63  }
0x1ce: {  	[tilespmem:s6+$0xFFFFFFD0] =	vst v2;
	v2 =	vcvt.f32.s32 v8  }
0x1cf: {  	[tilespmem:s6+$0xFFFFFFE0] =	vst v3;
	v3 =	vcvt.f32.s32 v9  }
0x1d0: {  	[tilespmem:s6+$0x0] =	vst v2;
	v2 =	vcvt.f32.s32 v10  }
.Ltmp9:
0x1d1: {  	[tilespmem:s6+$0x10] =	vst v3;
	v3 =	vcvt.f32.s32 v14;
	(pc) =	sbr.rel @p0 .LBB2_16-.Ltmp9, $4  }
0x1d2: {  	[tilespmem:s22+$0x30] =	vst v2;
	v2 =	vcvt.f32.s32 v11  }
0x1d3: {  	[tilespmem:s22+$0x40] =	vst v3  }
0x1d4: {  	[tilespmem:s22+$0x60] =	vst v2;
	s22 =	sadd.s32 $0x1800, s19  }
0x1d5: {  	[hbm4b:s22+s4] =	stream.linear.scatter [tilespmem:s28], [sflag:$0x6], $0x4000, $0x38;
	[tilespmem:$0x18500] =	vst v63  }
.Ltmp10:
0x1d6: {  	(pc) =	sbr.rel .LBB2_2-.Ltmp10, $4  }
0x1d7: {  	s6 =	sadd.s32 s18, s15  }
0x1d8: {  	s6 =	sshrl.u32 s6, $0x3  }
0x1d9: {  	s2 =	sadd.s32 $0x1, s2;
	s6 =	sadd.s32 s1, s6  }
0x1da: {  	[tilespmem:s20], [sflag:$0x4] =	stream.linear.gather [hbm4b:s6+s4], $0x4000, $0x38;
	[tilespmem:$0x18500] =	vst v63  }
.LBB2_17:
0x1db: {  	_ =	sfence.sel $0x180000  }
0x1dc: {  	[bflag:$0x0] =	sbarrier.arrive $0xFFFF  }
0x1dd: {  	_ =	strace $0x9000004A  }
0x1de: {  	s0 =	stileid.u32;
	[bflag:$0x2] =	sbarrier.arrive $0xFFFF  }
0x1df: {  	p0 =	sne.s32 s0, $0x0;
	s0 =	rddreg [dreg:$0x3]  }
0x1e0: {  	s0 =	sadd.s32 @!p0 $0x100000, s0  }
0x1e1: {  	[sflag:s0] =	ssyncadd.tile.s32 @!p0 $0x1;
	_ =	shalt  }
.Lfunc_end2:
_tile_overlayer_lowered:
.L_overlay_start_2:
0x1e2: {  	(tag) =	ssettag $0x2  }
0x1e3: {  	s0 =	rddreg [dreg:$0x0];
	s2 =	stileid.u32  }
0x1e4: {  	s1 =	rddreg [dreg:$0x1];
	p0 =	sne.s32 s2, $0x0  }
0x1e5: {  	s3 =	rddreg [dreg:$0x2];
	[bflag:$0x3] =	sbarrier.arrive $0xFFFF;
	s2 =	simm.s32 @!p0 $0x1C07  }
0x1e6: {  	[timem:s3], [sflag:s2] =	dma.local @!p0 [hbm:s0], s1  }
0x1e7: {  	s0 =	simm.s32 @!p0 $0x7  }
0x1e8: {  	_ =	swait.ge @!p0 [sflag:s0], s1  }
0x1e9: {  	s1 =	ssub.s32 @!p0 $0x0, s1;
	[sflag:s0] =	ssyncset.done @!p0 $0x0  }
0x1ea: {  	[sflag:s0] =	ssyncadd.s32 @!p0 s1  }
0x1eb: {  	[bflag:$0x3] =	sbarrier.arrive $0xFFFF  }
0x1ec: {  	_ =	shalt  }

</sc_bundles>
